<compile_context>
chip_gen: v7x
topology: tpu7x:2x2x1
jax: 0.10.2.dev20260603
libtpu: 0.0.44.dev20260713+nightly
codegen_flags: <defaults>
</compile_context>

<pallas_src>
import functools

import jax
import jax.numpy as jnp
from jax import lax
from jax.experimental import pallas as pl
from jax.experimental.pallas import tpu as pltpu
from jax.experimental.pallas import tpu_sc as plsc

_BATCH = 4096
_HIST = 200
_D = 64
_DP = 128
_V = 1000000
_B = _BATCH * _HIST
_NC = 2
_NS = 16
_NW = _NC * _NS
_BPW = _B // _NW
_CHUNK = 128
_NCHUNK = _BPW // _CHUNK
_NBUF = 5
_LEAD = 2
_NOUTER = _NCHUNK // _NBUF
_TBLK = 16384


def _relayout_body(tn_ref, out_ref):
  out_ref[:, :_D] = jnp.swapaxes(tn_ref[...], 0, 1)


_relayout = pl.pallas_call(
    _relayout_body,
    grid=(pl.cdiv(_V, _TBLK),),
    in_specs=[pl.BlockSpec((_D, _TBLK), lambda i: (0, i))],
    out_specs=pl.BlockSpec((_TBLK, _DP), lambda i: (i, 0)),
    out_shape=jax.ShapeDtypeStruct((_V, _DP), jnp.float32),
)


def _make_gather():
  mesh = plsc.VectorSubcoreMesh(core_axis_name="c", subcore_axis_name="s")

  @functools.partial(
      pl.kernel,
      mesh=mesh,
      out_type=jax.ShapeDtypeStruct((_B, _DP), jnp.float32),
      scratch_types=[
          pltpu.VMEM((_NCHUNK, _CHUNK), jnp.int32),
          pltpu.VMEM((_NBUF, _CHUNK, _DP), jnp.float32),
          pltpu.SemaphoreType.DMA((_NBUF,)),
          pltpu.SemaphoreType.DMA((_NBUF,)),
      ],
  )
  def gather_kernel(x_hbm, table_hbm, out_hbm, idx_v, rows_v, gsem, wsem):
    wid = lax.axis_index("s") * _NC + lax.axis_index("c")
    base = wid * _BPW
    pltpu.sync_copy(x_hbm.at[wid], idx_v)

    def start_gather(t, b):
      pltpu.async_copy(table_hbm.at[idx_v.at[t]], rows_v.at[b], gsem.at[b])

    def wait_gather(b):
      pltpu.make_async_copy(
          table_hbm.at[idx_v.at[0]], rows_v.at[b], gsem.at[b]).wait()

    def start_write(t, b):
      pltpu.async_copy(
          rows_v.at[b], out_hbm.at[pl.ds(base + t * _CHUNK, _CHUNK)],
          wsem.at[b])

    def wait_write(b):
      pltpu.make_async_copy(
          rows_v.at[b], out_hbm.at[pl.ds(base, _CHUNK)], wsem.at[b]).wait()

    for b in range(_LEAD):
      start_gather(b, b)

    def body(g, carry):
      for b in range(_NBUF):
        s = g * _NBUF + b
        bg = (b + _LEAD) % _NBUF
        if b >= _NBUF - _LEAD:
          wait_write(bg)
        else:
          @pl.when(g > 0)
          def _():
            wait_write(bg)
        if b < _NBUF - _LEAD:
          start_gather(s + _LEAD, bg)
        else:
          @pl.when(g < _NOUTER - 1)
          def _():
            start_gather(s + _LEAD, bg)
        wait_gather(b)
        start_write(s, b)
      return carry

    lax.fori_loop(0, _NOUTER, body, 0)

    for t in range(_NCHUNK + _LEAD - _NBUF, _NCHUNK):
      wait_write(t % _NBUF)

  return gather_kernel


_gather = _make_gather()


def kernel(x, table):
  tp = _relayout(table.T)
  xw = x.reshape(_NW, _NCHUNK, _CHUNK)
  out = _gather(xw, tp)
  return out[:, :_D].reshape(_BATCH, _HIST, _D)

# --- scband reference (transcript-rebuilt; emitter-appended) ---
"""Pipeline reference for scband-glo-ve-embedder-54056458388049 (READ-ONLY COPY).

The authoritative reference and input builder live on the scoring server;
editing this copy changes nothing except your own understanding.
"""

import jax, jax.numpy as jnp
import numpy as np

VOCAB = 1000000
EMBED_DIM = 64
BATCH = 4096
HIST = 200

def setup_inputs(seed: int = 0) -> dict:
    key = jax.random.key(seed)
    k_idx, k_tab = jax.random.split(key)
    x = jax.random.randint(k_idx, (BATCH, HIST), 0, VOCAB, dtype=jnp.int64 if jax.config.jax_enable_x64 else jnp.int32)
    table = jax.random.normal(k_tab, (VOCAB, EMBED_DIM), dtype=jnp.float32)
    return {"x": x, "table": table}

def reference(x, table):
    # nn.Embedding lookup: gather rows of the (pretrained GloVe) table
    return jnp.take(table, x, axis=0)

if __name__ == "__main__":
    import jax
    _d = setup_inputs()
    print(jax.jit(kernel)(*tuple(_d.values())))

</pallas_src>

<mosaic_0001>
#map = affine_map<(d0, d1) -> (0, 0, 0)>
#map1 = affine_map<(d0, d1) -> (0, 0)>
module attributes {stable_mosaic.version = 14 : i64} {
  func.func @gather_kernel(%arg0: i32, %arg1: i32, %arg2: memref<32x200x128xi32, #tpu.memory_space<hbm>>, %arg3: memref<1000000x128xf32, #tpu.memory_space<hbm>>, %arg4: memref<819200x128xf32, #tpu.memory_space<hbm>>, %arg5: memref<200x128xi32, #tpu.memory_space<vmem>>, %arg6: memref<5x128x128xf32, #tpu.memory_space<vmem>>, %arg7: memref<5x!tpu.dma_semaphore, #tpu.memory_space<semaphore_mem>>, %arg8: memref<5x!tpu.dma_semaphore, #tpu.memory_space<semaphore_mem>>) attributes {dimension_semantics = [#tpu.dimension_semantics<core_parallel>, #tpu.dimension_semantics<subcore_parallel>], iteration_bounds = array<i64: 2, 16>, scalar_prefetch = 0 : i64, scratch_operands = 4 : i64, tpu.core_type = #tpu.core_type<sc_vector_subcore>, window_params = [{transform_indices = #map}, {transform_indices = #map1}, {transform_indices = #map1}]} {
    %mul3A = arith.constant 2 : i32
    %mul3A_0 = arith.muli %arg1, %mul3A : i32
    %add3A = arith.addi %mul3A_0, %arg0 : i32
    %mul3A_1 = arith.constant 25600 : i32
    %mul3A_2 = arith.muli %add3A, %mul3A_1 : i32
    "tpu.region"() ({
      %run_scoped3A = tpu.sem_alloc : memref<!tpu.dma_semaphore, #tpu.memory_space<semaphore_mem>>
      %dma_start3A_84 = arith.constant 0 : i32
      %dma_start3A_85 = arith.constant 0 : i32
      %dma_start3A_86 = tpu.memref_slice %arg2[%add3A, %dma_start3A_84, %dma_start3A_85] : memref<32x200x128xi32, #tpu.memory_space<hbm>> -> memref<1x200x128xi32, #tpu.memory_space<hbm>>
      %dma_start3A_87 = tpu.memref_squeeze %dma_start3A_86 : memref<1x200x128xi32, #tpu.memory_space<hbm>> -> memref<200x128xi32, #tpu.memory_space<hbm>>
      %dma_start3A_88 = arith.constant 0 : i32
      %dma_start3A_89 = arith.constant 0 : i32
      %dma_start3A_90 = tpu.memref_slice %arg2[%add3A, %dma_start3A_88, %dma_start3A_89] : memref<32x200x128xi32, #tpu.memory_space<hbm>> -> memref<1x200x128xi32, #tpu.memory_space<hbm>>
      %dma_start3A_91 = tpu.memref_squeeze %dma_start3A_90 : memref<1x200x128xi32, #tpu.memory_space<hbm>> -> memref<200x128xi32, #tpu.memory_space<hbm>>
      tpu.enqueue_dma source(%dma_start3A_91 : memref<200x128xi32, #tpu.memory_space<hbm>>) target(%arg5 : memref<200x128xi32, #tpu.memory_space<vmem>>) target_semaphore(%run_scoped3A : memref<!tpu.dma_semaphore, #tpu.memory_space<semaphore_mem>>)
      %dma_wait3A_92 = arith.constant 0 : i32
      %dma_wait3A_93 = arith.constant 0 : i32
      %dma_wait3A_94 = tpu.memref_slice %arg2[%add3A, %dma_wait3A_92, %dma_wait3A_93] : memref<32x200x128xi32, #tpu.memory_space<hbm>> -> memref<1x200x128xi32, #tpu.memory_space<hbm>>
      %dma_wait3A_95 = tpu.memref_squeeze %dma_wait3A_94 : memref<1x200x128xi32, #tpu.memory_space<hbm>> -> memref<200x128xi32, #tpu.memory_space<hbm>>
      %dma_wait3A_96 = arith.constant 0 : i32
      %dma_wait3A_97 = arith.constant 0 : i32
      %dma_wait3A_98 = tpu.memref_slice %arg2[%add3A, %dma_wait3A_96, %dma_wait3A_97] : memref<32x200x128xi32, #tpu.memory_space<hbm>> -> memref<1x200x128xi32, #tpu.memory_space<hbm>>
      %dma_wait3A_99 = tpu.memref_squeeze %dma_wait3A_98 : memref<1x200x128xi32, #tpu.memory_space<hbm>> -> memref<200x128xi32, #tpu.memory_space<hbm>>
      tpu.wait_dma2 semaphore(%run_scoped3A : memref<!tpu.dma_semaphore, #tpu.memory_space<semaphore_mem>>) src(%dma_wait3A_99 : memref<200x128xi32, #tpu.memory_space<hbm>>) dst(%arg5 : memref<200x128xi32, #tpu.memory_space<vmem>>)
      tpu.yield
    }) : () -> ()
    %dma_start3A = arith.constant 0 : i32
    %dma_start3A_3 = arith.constant 0 : i32
    %dma_start3A_4 = arith.constant 0 : i32
    %dma_start3A_5 = arith.constant 0 : i32
    %dma_start3A_6 = arith.constant 0 : i32
    %dma_start3A_7 = tpu.memref_slice %arg6[%dma_start3A_3, %dma_start3A_5, %dma_start3A_6] : memref<5x128x128xf32, #tpu.memory_space<vmem>> -> memref<1x128x128xf32, #tpu.memory_space<vmem>>
    %dma_start3A_8 = tpu.memref_squeeze %dma_start3A_7 : memref<1x128x128xf32, #tpu.memory_space<vmem>> -> memref<128x128xf32, #tpu.memory_space<vmem>>
    %dma_start3A_9 = arith.constant 0 : i32
    %dma_start3A_10 = tpu.memref_slice %arg5[%dma_start3A, %dma_start3A_9] : memref<200x128xi32, #tpu.memory_space<vmem>> -> memref<1x128xi32, #tpu.memory_space<vmem>>
    %dma_start3A_11 = tpu.memref_squeeze %dma_start3A_10 : memref<1x128xi32, #tpu.memory_space<vmem>> -> memref<128xi32, #tpu.memory_space<vmem>>
    %dma_start3A_12 = arith.constant 0 : i32
    %dma_start3A_13 = arith.constant 0 : i32
    %dma_start3A_14 = tpu.memref_slice %arg3[%dma_start3A_12, %dma_start3A_13] : memref<1000000x128xf32, #tpu.memory_space<hbm>> -> memref<1000000x128xf32, #tpu.memory_space<hbm>>
    %dma_start3A_15 = tpu.memref_slice %arg7[%dma_start3A_4] : memref<5x!tpu.dma_semaphore, #tpu.memory_space<semaphore_mem>> -> memref<1x!tpu.dma_semaphore, #tpu.memory_space<semaphore_mem>>
    %dma_start3A_16 = tpu.memref_squeeze %dma_start3A_15 : memref<1x!tpu.dma_semaphore, #tpu.memory_space<semaphore_mem>> -> memref<!tpu.dma_semaphore, #tpu.memory_space<semaphore_mem>>
    tpu.enqueue_indirect_dma source(%dma_start3A_14 : memref<1000000x128xf32, #tpu.memory_space<hbm>>) target(%dma_start3A_8 : memref<128x128xf32, #tpu.memory_space<vmem>>) offsets(%dma_start3A_11 : memref<128xi32, #tpu.memory_space<vmem>>) semaphore(%dma_start3A_16 : memref<!tpu.dma_semaphore, #tpu.memory_space<semaphore_mem>>)
    %dma_start3A_17 = arith.constant 1 : i32
    %dma_start3A_18 = arith.constant 1 : i32
    %dma_start3A_19 = arith.constant 1 : i32
    %dma_start3A_20 = arith.constant 0 : i32
    %dma_start3A_21 = arith.constant 0 : i32
    %dma_start3A_22 = tpu.memref_slice %arg6[%dma_start3A_18, %dma_start3A_20, %dma_start3A_21] : memref<5x128x128xf32, #tpu.memory_space<vmem>> -> memref<1x128x128xf32, #tpu.memory_space<vmem>>
    %dma_start3A_23 = tpu.memref_squeeze %dma_start3A_22 : memref<1x128x128xf32, #tpu.memory_space<vmem>> -> memref<128x128xf32, #tpu.memory_space<vmem>>
    %dma_start3A_24 = arith.constant 0 : i32
    %dma_start3A_25 = tpu.memref_slice %arg5[%dma_start3A_17, %dma_start3A_24] : memref<200x128xi32, #tpu.memory_space<vmem>> -> memref<1x128xi32, #tpu.memory_space<vmem>>
    %dma_start3A_26 = tpu.memref_squeeze %dma_start3A_25 : memref<1x128xi32, #tpu.memory_space<vmem>> -> memref<128xi32, #tpu.memory_space<vmem>>
    %dma_start3A_27 = arith.constant 0 : i32
    %dma_start3A_28 = arith.constant 0 : i32
    %dma_start3A_29 = tpu.memref_slice %arg3[%dma_start3A_27, %dma_start3A_28] : memref<1000000x128xf32, #tpu.memory_space<hbm>> -> memref<1000000x128xf32, #tpu.memory_space<hbm>>
    %dma_start3A_30 = tpu.memref_slice %arg7[%dma_start3A_19] : memref<5x!tpu.dma_semaphore, #tpu.memory_space<semaphore_mem>> -> memref<1x!tpu.dma_semaphore, #tpu.memory_space<semaphore_mem>>
    %dma_start3A_31 = tpu.memref_squeeze %dma_start3A_30 : memref<1x!tpu.dma_semaphore, #tpu.memory_space<semaphore_mem>> -> memref<!tpu.dma_semaphore, #tpu.memory_space<semaphore_mem>>
    tpu.enqueue_indirect_dma source(%dma_start3A_29 : memref<1000000x128xf32, #tpu.memory_space<hbm>>) target(%dma_start3A_23 : memref<128x128xf32, #tpu.memory_space<vmem>>) offsets(%dma_start3A_26 : memref<128xi32, #tpu.memory_space<vmem>>) semaphore(%dma_start3A_31 : memref<!tpu.dma_semaphore, #tpu.memory_space<semaphore_mem>>)
    %scan3A = arith.constant 0 : i32
    %scan3A_32 = arith.constant 0 : i32
    %scan3A_33 = arith.constant 40 : i32
    %scan3A_34 = arith.addi %scan3A_32, %scan3A_33 : i32
    %scan3A_35 = arith.constant 1 : i32
    scf.for %scan3A_84 = %scan3A_32 to %scan3A_34 step %scan3A_35  : i32 {
      %mul3A_85 = arith.constant 5 : i32
      %mul3A_86 = arith.muli %scan3A_84, %mul3A_85 : i32
      %add3A_87 = arith.constant 0 : i32
      %add3A_88 = arith.addi %mul3A_86, %add3A_87 : i32
      %gt3A = arith.constant 0 : i32
      %gt3A_89 = arith.cmpi sgt, %scan3A_84, %gt3A : i32
      %convert_element_type3A = arith.extui %gt3A_89 : i1 to i32
      %cond3A = arith.constant 0 : i32
      %cond3A_90 = arith.cmpi ne, %convert_element_type3A, %cond3A : i32
      scf.if %cond3A_90 {
        %dma_wait3A_376 = arith.constant 2 : i32
        %dma_wait3A_377 = arith.constant 2 : i32
        %dma_wait3A_378 = arith.constant 0 : i32
        %dma_wait3A_379 = arith.constant 0 : i32
        %dma_wait3A_380 = tpu.memref_slice %arg6[%dma_wait3A_376, %dma_wait3A_378, %dma_wait3A_379] : memref<5x128x128xf32, #tpu.memory_space<vmem>> -> memref<1x128x128xf32, #tpu.memory_space<vmem>>
        %dma_wait3A_381 = tpu.memref_squeeze %dma_wait3A_380 : memref<1x128x128xf32, #tpu.memory_space<vmem>> -> memref<128x128xf32, #tpu.memory_space<vmem>>
        %dma_wait3A_382 = arith.constant 0 : i32
        %dma_wait3A_383 = tpu.memref_slice %arg4[%mul3A_2, %dma_wait3A_382] : memref<819200x128xf32, #tpu.memory_space<hbm>> -> memref<128x128xf32, #tpu.memory_space<hbm>>
        %dma_wait3A_384 = tpu.memref_slice %arg8[%dma_wait3A_377] : memref<5x!tpu.dma_semaphore, #tpu.memory_space<semaphore_mem>> -> memref<1x!tpu.dma_semaphore, #tpu.memory_space<semaphore_mem>>
        %dma_wait3A_385 = tpu.memref_squeeze %dma_wait3A_384 : memref<1x!tpu.dma_semaphore, #tpu.memory_space<semaphore_mem>> -> memref<!tpu.dma_semaphore, #tpu.memory_space<semaphore_mem>>
        %dma_wait3A_386 = arith.constant 0 : i32
        %dma_wait3A_387 = tpu.memref_slice %arg4[%mul3A_2, %dma_wait3A_386] : memref<819200x128xf32, #tpu.memory_space<hbm>> -> memref<128x128xf32, #tpu.memory_space<hbm>>
        %dma_wait3A_388 = arith.constant 0 : i32
        %dma_wait3A_389 = arith.constant 0 : i32
        %dma_wait3A_390 = tpu.memref_slice %arg6[%dma_wait3A_376, %dma_wait3A_388, %dma_wait3A_389] : memref<5x128x128xf32, #tpu.memory_space<vmem>> -> memref<1x128x128xf32, #tpu.memory_space<vmem>>
        %dma_wait3A_391 = tpu.memref_squeeze %dma_wait3A_390 : memref<1x128x128xf32, #tpu.memory_space<vmem>> -> memref<128x128xf32, #tpu.memory_space<vmem>>
        tpu.wait_dma2 semaphore(%dma_wait3A_385 : memref<!tpu.dma_semaphore, #tpu.memory_space<semaphore_mem>>) src(%dma_wait3A_391 : memref<128x128xf32, #tpu.memory_space<vmem>>) dst(%dma_wait3A_387 : memref<128x128xf32, #tpu.memory_space<hbm>>)
      } else {
      }
      %add3A_91 = arith.constant 2 : i32
      %add3A_92 = arith.addi %add3A_88, %add3A_91 : i32
      %dma_start3A_93 = arith.constant 2 : i32
      %dma_start3A_94 = arith.constant 2 : i32
      %dma_start3A_95 = arith.constant 0 : i32
      %dma_start3A_96 = arith.constant 0 : i32
      %dma_start3A_97 = tpu.memref_slice %arg6[%dma_start3A_93, %dma_start3A_95, %dma_start3A_96] : memref<5x128x128xf32, #tpu.memory_space<vmem>> -> memref<1x128x128xf32, #tpu.memory_space<vmem>>
      %dma_start3A_98 = tpu.memref_squeeze %dma_start3A_97 : memref<1x128x128xf32, #tpu.memory_space<vmem>> -> memref<128x128xf32, #tpu.memory_space<vmem>>
      %dma_start3A_99 = arith.constant 0 : i32
      %dma_start3A_100 = tpu.memref_slice %arg5[%add3A_92, %dma_start3A_99] : memref<200x128xi32, #tpu.memory_space<vmem>> -> memref<1x128xi32, #tpu.memory_space<vmem>>
      %dma_start3A_101 = tpu.memref_squeeze %dma_start3A_100 : memref<1x128xi32, #tpu.memory_space<vmem>> -> memref<128xi32, #tpu.memory_space<vmem>>
      %dma_start3A_102 = arith.constant 0 : i32
      %dma_start3A_103 = arith.constant 0 : i32
      %dma_start3A_104 = tpu.memref_slice %arg3[%dma_start3A_102, %dma_start3A_103] : memref<1000000x128xf32, #tpu.memory_space<hbm>> -> memref<1000000x128xf32, #tpu.memory_space<hbm>>
      %dma_start3A_105 = tpu.memref_slice %arg7[%dma_start3A_94] : memref<5x!tpu.dma_semaphore, #tpu.memory_space<semaphore_mem>> -> memref<1x!tpu.dma_semaphore, #tpu.memory_space<semaphore_mem>>
      %dma_start3A_106 = tpu.memref_squeeze %dma_start3A_105 : memref<1x!tpu.dma_semaphore, #tpu.memory_space<semaphore_mem>> -> memref<!tpu.dma_semaphore, #tpu.memory_space<semaphore_mem>>
      tpu.enqueue_indirect_dma source(%dma_start3A_104 : memref<1000000x128xf32, #tpu.memory_space<hbm>>) target(%dma_start3A_98 : memref<128x128xf32, #tpu.memory_space<vmem>>) offsets(%dma_start3A_101 : memref<128xi32, #tpu.memory_space<vmem>>) semaphore(%dma_start3A_106 : memref<!tpu.dma_semaphore, #tpu.memory_space<semaphore_mem>>)
      %dma_wait3A_107 = arith.constant 0 : i32
      %dma_wait3A_108 = arith.constant 0 : i32
      %dma_wait3A_109 = arith.constant 0 : i32
      %dma_wait3A_110 = arith.constant 0 : i32
      %dma_wait3A_111 = arith.constant 0 : i32
      %dma_wait3A_112 = tpu.memref_slice %arg6[%dma_wait3A_108, %dma_wait3A_110, %dma_wait3A_111] : memref<5x128x128xf32, #tpu.memory_space<vmem>> -> memref<1x128x128xf32, #tpu.memory_space<vmem>>
      %dma_wait3A_113 = tpu.memref_squeeze %dma_wait3A_112 : memref<1x128x128xf32, #tpu.memory_space<vmem>> -> memref<128x128xf32, #tpu.memory_space<vmem>>
      %dma_wait3A_114 = arith.constant 0 : i32
      %dma_wait3A_115 = tpu.memref_slice %arg5[%dma_wait3A_107, %dma_wait3A_114] : memref<200x128xi32, #tpu.memory_space<vmem>> -> memref<1x128xi32, #tpu.memory_space<vmem>>
      %dma_wait3A_116 = tpu.memref_squeeze %dma_wait3A_115 : memref<1x128xi32, #tpu.memory_space<vmem>> -> memref<128xi32, #tpu.memory_space<vmem>>
      %dma_wait3A_117 = arith.constant 0 : i32
      %dma_wait3A_118 = arith.constant 0 : i32
      %dma_wait3A_119 = tpu.memref_slice %arg3[%dma_wait3A_117, %dma_wait3A_118] : memref<1000000x128xf32, #tpu.memory_space<hbm>> -> memref<1000000x128xf32, #tpu.memory_space<hbm>>
      %dma_wait3A_120 = tpu.memref_slice %arg7[%dma_wait3A_109] : memref<5x!tpu.dma_semaphore, #tpu.memory_space<semaphore_mem>> -> memref<1x!tpu.dma_semaphore, #tpu.memory_space<semaphore_mem>>
      %dma_wait3A_121 = tpu.memref_squeeze %dma_wait3A_120 : memref<1x!tpu.dma_semaphore, #tpu.memory_space<semaphore_mem>> -> memref<!tpu.dma_semaphore, #tpu.memory_space<semaphore_mem>>
      tpu.wait_indirect_dma semaphore(%dma_wait3A_121 : memref<!tpu.dma_semaphore, #tpu.memory_space<semaphore_mem>>) src(%dma_wait3A_119 : memref<1000000x128xf32, #tpu.memory_space<hbm>>) dst(%dma_wait3A_113 : memref<128x128xf32, #tpu.memory_space<vmem>>)
      %mul3A_122 = arith.constant 128 : i32
      %mul3A_123 = arith.muli %add3A_88, %mul3A_122 : i32
      %add3A_124 = arith.addi %mul3A_2, %mul3A_123 : i32
      %dma_start3A_125 = arith.constant 0 : i32
      %dma_start3A_126 = arith.constant 0 : i32
      %dma_start3A_127 = arith.constant 0 : i32
      %dma_start3A_128 = arith.constant 0 : i32
      %dma_start3A_129 = tpu.memref_slice %arg6[%dma_start3A_125, %dma_start3A_127, %dma_start3A_128] : memref<5x128x128xf32, #tpu.memory_space<vmem>> -> memref<1x128x128xf32, #tpu.memory_space<vmem>>
      %dma_start3A_130 = tpu.memref_squeeze %dma_start3A_129 : memref<1x128x128xf32, #tpu.memory_space<vmem>> -> memref<128x128xf32, #tpu.memory_space<vmem>>
      %dma_start3A_131 = arith.constant 0 : i32
      %dma_start3A_132 = tpu.memref_slice %arg4[%add3A_124, %dma_start3A_131] : memref<819200x128xf32, #tpu.memory_space<hbm>> -> memref<128x128xf32, #tpu.memory_space<hbm>>
      %dma_start3A_133 = tpu.memref_slice %arg8[%dma_start3A_126] : memref<5x!tpu.dma_semaphore, #tpu.memory_space<semaphore_mem>> -> memref<1x!tpu.dma_semaphore, #tpu.memory_space<semaphore_mem>>
      %dma_start3A_134 = tpu.memref_squeeze %dma_start3A_133 : memref<1x!tpu.dma_semaphore, #tpu.memory_space<semaphore_mem>> -> memref<!tpu.dma_semaphore, #tpu.memory_space<semaphore_mem>>
      %dma_start3A_135 = arith.constant 0 : i32
      %dma_start3A_136 = tpu.memref_slice %arg4[%add3A_124, %dma_start3A_135] : memref<819200x128xf32, #tpu.memory_space<hbm>> -> memref<128x128xf32, #tpu.memory_space<hbm>>
      %dma_start3A_137 = arith.constant 0 : i32
      %dma_start3A_138 = arith.constant 0 : i32
      %dma_start3A_139 = tpu.memref_slice %arg6[%dma_start3A_125, %dma_start3A_137, %dma_start3A_138] : memref<5x128x128xf32, #tpu.memory_space<vmem>> -> memref<1x128x128xf32, #tpu.memory_space<vmem>>
      %dma_start3A_140 = tpu.memref_squeeze %dma_start3A_139 : memref<1x128x128xf32, #tpu.memory_space<vmem>> -> memref<128x128xf32, #tpu.memory_space<vmem>>
      tpu.enqueue_dma source(%dma_start3A_140 : memref<128x128xf32, #tpu.memory_space<vmem>>) target(%dma_start3A_136 : memref<128x128xf32, #tpu.memory_space<hbm>>) target_semaphore(%dma_start3A_134 : memref<!tpu.dma_semaphore, #tpu.memory_space<semaphore_mem>>)
      %mul3A_141 = arith.constant 5 : i32
      %mul3A_142 = arith.muli %scan3A_84, %mul3A_141 : i32
      %add3A_143 = arith.constant 1 : i32
      %add3A_144 = arith.addi %mul3A_142, %add3A_143 : i32
      %gt3A_145 = arith.constant 0 : i32
      %gt3A_146 = arith.cmpi sgt, %scan3A_84, %gt3A_145 : i32
      %convert_element_type3A_147 = arith.extui %gt3A_146 : i1 to i32
      %cond3A_148 = arith.constant 0 : i32
      %cond3A_149 = arith.cmpi ne, %convert_element_type3A_147, %cond3A_148 : i32
      scf.if %cond3A_149 {
        %dma_wait3A_376 = arith.constant 3 : i32
        %dma_wait3A_377 = arith.constant 3 : i32
        %dma_wait3A_378 = arith.constant 0 : i32
        %dma_wait3A_379 = arith.constant 0 : i32
        %dma_wait3A_380 = tpu.memref_slice %arg6[%dma_wait3A_376, %dma_wait3A_378, %dma_wait3A_379] : memref<5x128x128xf32, #tpu.memory_space<vmem>> -> memref<1x128x128xf32, #tpu.memory_space<vmem>>
        %dma_wait3A_381 = tpu.memref_squeeze %dma_wait3A_380 : memref<1x128x128xf32, #tpu.memory_space<vmem>> -> memref<128x128xf32, #tpu.memory_space<vmem>>
        %dma_wait3A_382 = arith.constant 0 : i32
        %dma_wait3A_383 = tpu.memref_slice %arg4[%mul3A_2, %dma_wait3A_382] : memref<819200x128xf32, #tpu.memory_space<hbm>> -> memref<128x128xf32, #tpu.memory_space<hbm>>
        %dma_wait3A_384 = tpu.memref_slice %arg8[%dma_wait3A_377] : memref<5x!tpu.dma_semaphore, #tpu.memory_space<semaphore_mem>> -> memref<1x!tpu.dma_semaphore, #tpu.memory_space<semaphore_mem>>
        %dma_wait3A_385 = tpu.memref_squeeze %dma_wait3A_384 : memref<1x!tpu.dma_semaphore, #tpu.memory_space<semaphore_mem>> -> memref<!tpu.dma_semaphore, #tpu.memory_space<semaphore_mem>>
        %dma_wait3A_386 = arith.constant 0 : i32
        %dma_wait3A_387 = tpu.memref_slice %arg4[%mul3A_2, %dma_wait3A_386] : memref<819200x128xf32, #tpu.memory_space<hbm>> -> memref<128x128xf32, #tpu.memory_space<hbm>>
        %dma_wait3A_388 = arith.constant 0 : i32
        %dma_wait3A_389 = arith.constant 0 : i32
        %dma_wait3A_390 = tpu.memref_slice %arg6[%dma_wait3A_376, %dma_wait3A_388, %dma_wait3A_389] : memref<5x128x128xf32, #tpu.memory_space<vmem>> -> memref<1x128x128xf32, #tpu.memory_space<vmem>>
        %dma_wait3A_391 = tpu.memref_squeeze %dma_wait3A_390 : memref<1x128x128xf32, #tpu.memory_space<vmem>> -> memref<128x128xf32, #tpu.memory_space<vmem>>
        tpu.wait_dma2 semaphore(%dma_wait3A_385 : memref<!tpu.dma_semaphore, #tpu.memory_space<semaphore_mem>>) src(%dma_wait3A_391 : memref<128x128xf32, #tpu.memory_space<vmem>>) dst(%dma_wait3A_387 : memref<128x128xf32, #tpu.memory_space<hbm>>)
      } else {
      }
      %add3A_150 = arith.constant 2 : i32
      %add3A_151 = arith.addi %add3A_144, %add3A_150 : i32
      %dma_start3A_152 = arith.constant 3 : i32
      %dma_start3A_153 = arith.constant 3 : i32
      %dma_start3A_154 = arith.constant 0 : i32
      %dma_start3A_155 = arith.constant 0 : i32
      %dma_start3A_156 = tpu.memref_slice %arg6[%dma_start3A_152, %dma_start3A_154, %dma_start3A_155] : memref<5x128x128xf32, #tpu.memory_space<vmem>> -> memref<1x128x128xf32, #tpu.memory_space<vmem>>
      %dma_start3A_157 = tpu.memref_squeeze %dma_start3A_156 : memref<1x128x128xf32, #tpu.memory_space<vmem>> -> memref<128x128xf32, #tpu.memory_space<vmem>>
      %dma_start3A_158 = arith.constant 0 : i32
      %dma_start3A_159 = tpu.memref_slice %arg5[%add3A_151, %dma_start3A_158] : memref<200x128xi32, #tpu.memory_space<vmem>> -> memref<1x128xi32, #tpu.memory_space<vmem>>
      %dma_start3A_160 = tpu.memref_squeeze %dma_start3A_159 : memref<1x128xi32, #tpu.memory_space<vmem>> -> memref<128xi32, #tpu.memory_space<vmem>>
      %dma_start3A_161 = arith.constant 0 : i32
      %dma_start3A_162 = arith.constant 0 : i32
      %dma_start3A_163 = tpu.memref_slice %arg3[%dma_start3A_161, %dma_start3A_162] : memref<1000000x128xf32, #tpu.memory_space<hbm>> -> memref<1000000x128xf32, #tpu.memory_space<hbm>>
      %dma_start3A_164 = tpu.memref_slice %arg7[%dma_start3A_153] : memref<5x!tpu.dma_semaphore, #tpu.memory_space<semaphore_mem>> -> memref<1x!tpu.dma_semaphore, #tpu.memory_space<semaphore_mem>>
      %dma_start3A_165 = tpu.memref_squeeze %dma_start3A_164 : memref<1x!tpu.dma_semaphore, #tpu.memory_space<semaphore_mem>> -> memref<!tpu.dma_semaphore, #tpu.memory_space<semaphore_mem>>
      tpu.enqueue_indirect_dma source(%dma_start3A_163 : memref<1000000x128xf32, #tpu.memory_space<hbm>>) target(%dma_start3A_157 : memref<128x128xf32, #tpu.memory_space<vmem>>) offsets(%dma_start3A_160 : memref<128xi32, #tpu.memory_space<vmem>>) semaphore(%dma_start3A_165 : memref<!tpu.dma_semaphore, #tpu.memory_space<semaphore_mem>>)
      %dma_wait3A_166 = arith.constant 0 : i32
      %dma_wait3A_167 = arith.constant 1 : i32
      %dma_wait3A_168 = arith.constant 1 : i32
      %dma_wait3A_169 = arith.constant 0 : i32
      %dma_wait3A_170 = arith.constant 0 : i32
      %dma_wait3A_171 = tpu.memref_slice %arg6[%dma_wait3A_167, %dma_wait3A_169, %dma_wait3A_170] : memref<5x128x128xf32, #tpu.memory_space<vmem>> -> memref<1x128x128xf32, #tpu.memory_space<vmem>>
      %dma_wait3A_172 = tpu.memref_squeeze %dma_wait3A_171 : memref<1x128x128xf32, #tpu.memory_space<vmem>> -> memref<128x128xf32, #tpu.memory_space<vmem>>
      %dma_wait3A_173 = arith.constant 0 : i32
      %dma_wait3A_174 = tpu.memref_slice %arg5[%dma_wait3A_166, %dma_wait3A_173] : memref<200x128xi32, #tpu.memory_space<vmem>> -> memref<1x128xi32, #tpu.memory_space<vmem>>
      %dma_wait3A_175 = tpu.memref_squeeze %dma_wait3A_174 : memref<1x128xi32, #tpu.memory_space<vmem>> -> memref<128xi32, #tpu.memory_space<vmem>>
      %dma_wait3A_176 = arith.constant 0 : i32
      %dma_wait3A_177 = arith.constant 0 : i32
      %dma_wait3A_178 = tpu.memref_slice %arg3[%dma_wait3A_176, %dma_wait3A_177] : memref<1000000x128xf32, #tpu.memory_space<hbm>> -> memref<1000000x128xf32, #tpu.memory_space<hbm>>
      %dma_wait3A_179 = tpu.memref_slice %arg7[%dma_wait3A_168] : memref<5x!tpu.dma_semaphore, #tpu.memory_space<semaphore_mem>> -> memref<1x!tpu.dma_semaphore, #tpu.memory_space<semaphore_mem>>
      %dma_wait3A_180 = tpu.memref_squeeze %dma_wait3A_179 : memref<1x!tpu.dma_semaphore, #tpu.memory_space<semaphore_mem>> -> memref<!tpu.dma_semaphore, #tpu.memory_space<semaphore_mem>>
      tpu.wait_indirect_dma semaphore(%dma_wait3A_180 : memref<!tpu.dma_semaphore, #tpu.memory_space<semaphore_mem>>) src(%dma_wait3A_178 : memref<1000000x128xf32, #tpu.memory_space<hbm>>) dst(%dma_wait3A_172 : memref<128x128xf32, #tpu.memory_space<vmem>>)
      %mul3A_181 = arith.constant 128 : i32
      %mul3A_182 = arith.muli %add3A_144, %mul3A_181 : i32
      %add3A_183 = arith.addi %mul3A_2, %mul3A_182 : i32
      %dma_start3A_184 = arith.constant 1 : i32
      %dma_start3A_185 = arith.constant 1 : i32
      %dma_start3A_186 = arith.constant 0 : i32
      %dma_start3A_187 = arith.constant 0 : i32
      %dma_start3A_188 = tpu.memref_slice %arg6[%dma_start3A_184, %dma_start3A_186, %dma_start3A_187] : memref<5x128x128xf32, #tpu.memory_space<vmem>> -> memref<1x128x128xf32, #tpu.memory_space<vmem>>
      %dma_start3A_189 = tpu.memref_squeeze %dma_start3A_188 : memref<1x128x128xf32, #tpu.memory_space<vmem>> -> memref<128x128xf32, #tpu.memory_space<vmem>>
      %dma_start3A_190 = arith.constant 0 : i32
      %dma_start3A_191 = tpu.memref_slice %arg4[%add3A_183, %dma_start3A_190] : memref<819200x128xf32, #tpu.memory_space<hbm>> -> memref<128x128xf32, #tpu.memory_space<hbm>>
      %dma_start3A_192 = tpu.memref_slice %arg8[%dma_start3A_185] : memref<5x!tpu.dma_semaphore, #tpu.memory_space<semaphore_mem>> -> memref<1x!tpu.dma_semaphore, #tpu.memory_space<semaphore_mem>>
      %dma_start3A_193 = tpu.memref_squeeze %dma_start3A_192 : memref<1x!tpu.dma_semaphore, #tpu.memory_space<semaphore_mem>> -> memref<!tpu.dma_semaphore, #tpu.memory_space<semaphore_mem>>
      %dma_start3A_194 = arith.constant 0 : i32
      %dma_start3A_195 = tpu.memref_slice %arg4[%add3A_183, %dma_start3A_194] : memref<819200x128xf32, #tpu.memory_space<hbm>> -> memref<128x128xf32, #tpu.memory_space<hbm>>
      %dma_start3A_196 = arith.constant 0 : i32
      %dma_start3A_197 = arith.constant 0 : i32
      %dma_start3A_198 = tpu.memref_slice %arg6[%dma_start3A_184, %dma_start3A_196, %dma_start3A_197] : memref<5x128x128xf32, #tpu.memory_space<vmem>> -> memref<1x128x128xf32, #tpu.memory_space<vmem>>
      %dma_start3A_199 = tpu.memref_squeeze %dma_start3A_198 : memref<1x128x128xf32, #tpu.memory_space<vmem>> -> memref<128x128xf32, #tpu.memory_space<vmem>>
      tpu.enqueue_dma source(%dma_start3A_199 : memref<128x128xf32, #tpu.memory_space<vmem>>) target(%dma_start3A_195 : memref<128x128xf32, #tpu.memory_space<hbm>>) target_semaphore(%dma_start3A_193 : memref<!tpu.dma_semaphore, #tpu.memory_space<semaphore_mem>>)
      %mul3A_200 = arith.constant 5 : i32
      %mul3A_201 = arith.muli %scan3A_84, %mul3A_200 : i32
      %add3A_202 = arith.constant 2 : i32
      %add3A_203 = arith.addi %mul3A_201, %add3A_202 : i32
      %gt3A_204 = arith.constant 0 : i32
      %gt3A_205 = arith.cmpi sgt, %scan3A_84, %gt3A_204 : i32
      %convert_element_type3A_206 = arith.extui %gt3A_205 : i1 to i32
      %cond3A_207 = arith.constant 0 : i32
      %cond3A_208 = arith.cmpi ne, %convert_element_type3A_206, %cond3A_207 : i32
      scf.if %cond3A_208 {
        %dma_wait3A_376 = arith.constant 4 : i32
        %dma_wait3A_377 = arith.constant 4 : i32
        %dma_wait3A_378 = arith.constant 0 : i32
        %dma_wait3A_379 = arith.constant 0 : i32
        %dma_wait3A_380 = tpu.memref_slice %arg6[%dma_wait3A_376, %dma_wait3A_378, %dma_wait3A_379] : memref<5x128x128xf32, #tpu.memory_space<vmem>> -> memref<1x128x128xf32, #tpu.memory_space<vmem>>
        %dma_wait3A_381 = tpu.memref_squeeze %dma_wait3A_380 : memref<1x128x128xf32, #tpu.memory_space<vmem>> -> memref<128x128xf32, #tpu.memory_space<vmem>>
        %dma_wait3A_382 = arith.constant 0 : i32
        %dma_wait3A_383 = tpu.memref_slice %arg4[%mul3A_2, %dma_wait3A_382] : memref<819200x128xf32, #tpu.memory_space<hbm>> -> memref<128x128xf32, #tpu.memory_space<hbm>>
        %dma_wait3A_384 = tpu.memref_slice %arg8[%dma_wait3A_377] : memref<5x!tpu.dma_semaphore, #tpu.memory_space<semaphore_mem>> -> memref<1x!tpu.dma_semaphore, #tpu.memory_space<semaphore_mem>>
        %dma_wait3A_385 = tpu.memref_squeeze %dma_wait3A_384 : memref<1x!tpu.dma_semaphore, #tpu.memory_space<semaphore_mem>> -> memref<!tpu.dma_semaphore, #tpu.memory_space<semaphore_mem>>
        %dma_wait3A_386 = arith.constant 0 : i32
        %dma_wait3A_387 = tpu.memref_slice %arg4[%mul3A_2, %dma_wait3A_386] : memref<819200x128xf32, #tpu.memory_space<hbm>> -> memref<128x128xf32, #tpu.memory_space<hbm>>
        %dma_wait3A_388 = arith.constant 0 : i32
        %dma_wait3A_389 = arith.constant 0 : i32
        %dma_wait3A_390 = tpu.memref_slice %arg6[%dma_wait3A_376, %dma_wait3A_388, %dma_wait3A_389] : memref<5x128x128xf32, #tpu.memory_space<vmem>> -> memref<1x128x128xf32, #tpu.memory_space<vmem>>
        %dma_wait3A_391 = tpu.memref_squeeze %dma_wait3A_390 : memref<1x128x128xf32, #tpu.memory_space<vmem>> -> memref<128x128xf32, #tpu.memory_space<vmem>>
        tpu.wait_dma2 semaphore(%dma_wait3A_385 : memref<!tpu.dma_semaphore, #tpu.memory_space<semaphore_mem>>) src(%dma_wait3A_391 : memref<128x128xf32, #tpu.memory_space<vmem>>) dst(%dma_wait3A_387 : memref<128x128xf32, #tpu.memory_space<hbm>>)
      } else {
      }
      %add3A_209 = arith.constant 2 : i32
      %add3A_210 = arith.addi %add3A_203, %add3A_209 : i32
      %dma_start3A_211 = arith.constant 4 : i32
      %dma_start3A_212 = arith.constant 4 : i32
      %dma_start3A_213 = arith.constant 0 : i32
      %dma_start3A_214 = arith.constant 0 : i32
      %dma_start3A_215 = tpu.memref_slice %arg6[%dma_start3A_211, %dma_start3A_213, %dma_start3A_214] : memref<5x128x128xf32, #tpu.memory_space<vmem>> -> memref<1x128x128xf32, #tpu.memory_space<vmem>>
      %dma_start3A_216 = tpu.memref_squeeze %dma_start3A_215 : memref<1x128x128xf32, #tpu.memory_space<vmem>> -> memref<128x128xf32, #tpu.memory_space<vmem>>
      %dma_start3A_217 = arith.constant 0 : i32
      %dma_start3A_218 = tpu.memref_slice %arg5[%add3A_210, %dma_start3A_217] : memref<200x128xi32, #tpu.memory_space<vmem>> -> memref<1x128xi32, #tpu.memory_space<vmem>>
      %dma_start3A_219 = tpu.memref_squeeze %dma_start3A_218 : memref<1x128xi32, #tpu.memory_space<vmem>> -> memref<128xi32, #tpu.memory_space<vmem>>
      %dma_start3A_220 = arith.constant 0 : i32
      %dma_start3A_221 = arith.constant 0 : i32
      %dma_start3A_222 = tpu.memref_slice %arg3[%dma_start3A_220, %dma_start3A_221] : memref<1000000x128xf32, #tpu.memory_space<hbm>> -> memref<1000000x128xf32, #tpu.memory_space<hbm>>
      %dma_start3A_223 = tpu.memref_slice %arg7[%dma_start3A_212] : memref<5x!tpu.dma_semaphore, #tpu.memory_space<semaphore_mem>> -> memref<1x!tpu.dma_semaphore, #tpu.memory_space<semaphore_mem>>
      %dma_start3A_224 = tpu.memref_squeeze %dma_start3A_223 : memref<1x!tpu.dma_semaphore, #tpu.memory_space<semaphore_mem>> -> memref<!tpu.dma_semaphore, #tpu.memory_space<semaphore_mem>>
      tpu.enqueue_indirect_dma source(%dma_start3A_222 : memref<1000000x128xf32, #tpu.memory_space<hbm>>) target(%dma_start3A_216 : memref<128x128xf32, #tpu.memory_space<vmem>>) offsets(%dma_start3A_219 : memref<128xi32, #tpu.memory_space<vmem>>) semaphore(%dma_start3A_224 : memref<!tpu.dma_semaphore, #tpu.memory_space<semaphore_mem>>)
      %dma_wait3A_225 = arith.constant 0 : i32
      %dma_wait3A_226 = arith.constant 2 : i32
      %dma_wait3A_227 = arith.constant 2 : i32
      %dma_wait3A_228 = arith.constant 0 : i32
      %dma_wait3A_229 = arith.constant 0 : i32
      %dma_wait3A_230 = tpu.memref_slice %arg6[%dma_wait3A_226, %dma_wait3A_228, %dma_wait3A_229] : memref<5x128x128xf32, #tpu.memory_space<vmem>> -> memref<1x128x128xf32, #tpu.memory_space<vmem>>
      %dma_wait3A_231 = tpu.memref_squeeze %dma_wait3A_230 : memref<1x128x128xf32, #tpu.memory_space<vmem>> -> memref<128x128xf32, #tpu.memory_space<vmem>>
      %dma_wait3A_232 = arith.constant 0 : i32
      %dma_wait3A_233 = tpu.memref_slice %arg5[%dma_wait3A_225, %dma_wait3A_232] : memref<200x128xi32, #tpu.memory_space<vmem>> -> memref<1x128xi32, #tpu.memory_space<vmem>>
      %dma_wait3A_234 = tpu.memref_squeeze %dma_wait3A_233 : memref<1x128xi32, #tpu.memory_space<vmem>> -> memref<128xi32, #tpu.memory_space<vmem>>
      %dma_wait3A_235 = arith.constant 0 : i32
      %dma_wait3A_236 = arith.constant 0 : i32
      %dma_wait3A_237 = tpu.memref_slice %arg3[%dma_wait3A_235, %dma_wait3A_236] : memref<1000000x128xf32, #tpu.memory_space<hbm>> -> memref<1000000x128xf32, #tpu.memory_space<hbm>>
      %dma_wait3A_238 = tpu.memref_slice %arg7[%dma_wait3A_227] : memref<5x!tpu.dma_semaphore, #tpu.memory_space<semaphore_mem>> -> memref<1x!tpu.dma_semaphore, #tpu.memory_space<semaphore_mem>>
      %dma_wait3A_239 = tpu.memref_squeeze %dma_wait3A_238 : memref<1x!tpu.dma_semaphore, #tpu.memory_space<semaphore_mem>> -> memref<!tpu.dma_semaphore, #tpu.memory_space<semaphore_mem>>
      tpu.wait_indirect_dma semaphore(%dma_wait3A_239 : memref<!tpu.dma_semaphore, #tpu.memory_space<semaphore_mem>>) src(%dma_wait3A_237 : memref<1000000x128xf32, #tpu.memory_space<hbm>>) dst(%dma_wait3A_231 : memref<128x128xf32, #tpu.memory_space<vmem>>)
      %mul3A_240 = arith.constant 128 : i32
      %mul3A_241 = arith.muli %add3A_203, %mul3A_240 : i32
      %add3A_242 = arith.addi %mul3A_2, %mul3A_241 : i32
      %dma_start3A_243 = arith.constant 2 : i32
      %dma_start3A_244 = arith.constant 2 : i32
      %dma_start3A_245 = arith.constant 0 : i32
      %dma_start3A_246 = arith.constant 0 : i32
      %dma_start3A_247 = tpu.memref_slice %arg6[%dma_start3A_243, %dma_start3A_245, %dma_start3A_246] : memref<5x128x128xf32, #tpu.memory_space<vmem>> -> memref<1x128x128xf32, #tpu.memory_space<vmem>>
      %dma_start3A_248 = tpu.memref_squeeze %dma_start3A_247 : memref<1x128x128xf32, #tpu.memory_space<vmem>> -> memref<128x128xf32, #tpu.memory_space<vmem>>
      %dma_start3A_249 = arith.constant 0 : i32
      %dma_start3A_250 = tpu.memref_slice %arg4[%add3A_242, %dma_start3A_249] : memref<819200x128xf32, #tpu.memory_space<hbm>> -> memref<128x128xf32, #tpu.memory_space<hbm>>
      %dma_start3A_251 = tpu.memref_slice %arg8[%dma_start3A_244] : memref<5x!tpu.dma_semaphore, #tpu.memory_space<semaphore_mem>> -> memref<1x!tpu.dma_semaphore, #tpu.memory_space<semaphore_mem>>
      %dma_start3A_252 = tpu.memref_squeeze %dma_start3A_251 : memref<1x!tpu.dma_semaphore, #tpu.memory_space<semaphore_mem>> -> memref<!tpu.dma_semaphore, #tpu.memory_space<semaphore_mem>>
      %dma_start3A_253 = arith.constant 0 : i32
      %dma_start3A_254 = tpu.memref_slice %arg4[%add3A_242, %dma_start3A_253] : memref<819200x128xf32, #tpu.memory_space<hbm>> -> memref<128x128xf32, #tpu.memory_space<hbm>>
      %dma_start3A_255 = arith.constant 0 : i32
      %dma_start3A_256 = arith.constant 0 : i32
      %dma_start3A_257 = tpu.memref_slice %arg6[%dma_start3A_243, %dma_start3A_255, %dma_start3A_256] : memref<5x128x128xf32, #tpu.memory_space<vmem>> -> memref<1x128x128xf32, #tpu.memory_space<vmem>>
      %dma_start3A_258 = tpu.memref_squeeze %dma_start3A_257 : memref<1x128x128xf32, #tpu.memory_space<vmem>> -> memref<128x128xf32, #tpu.memory_space<vmem>>
      tpu.enqueue_dma source(%dma_start3A_258 : memref<128x128xf32, #tpu.memory_space<vmem>>) target(%dma_start3A_254 : memref<128x128xf32, #tpu.memory_space<hbm>>) target_semaphore(%dma_start3A_252 : memref<!tpu.dma_semaphore, #tpu.memory_space<semaphore_mem>>)
      %mul3A_259 = arith.constant 5 : i32
      %mul3A_260 = arith.muli %scan3A_84, %mul3A_259 : i32
      %add3A_261 = arith.constant 3 : i32
      %add3A_262 = arith.addi %mul3A_260, %add3A_261 : i32
      %dma_wait3A_263 = arith.constant 0 : i32
      %dma_wait3A_264 = arith.constant 0 : i32
      %dma_wait3A_265 = arith.constant 0 : i32
      %dma_wait3A_266 = arith.constant 0 : i32
      %dma_wait3A_267 = tpu.memref_slice %arg6[%dma_wait3A_263, %dma_wait3A_265, %dma_wait3A_266] : memref<5x128x128xf32, #tpu.memory_space<vmem>> -> memref<1x128x128xf32, #tpu.memory_space<vmem>>
      %dma_wait3A_268 = tpu.memref_squeeze %dma_wait3A_267 : memref<1x128x128xf32, #tpu.memory_space<vmem>> -> memref<128x128xf32, #tpu.memory_space<vmem>>
      %dma_wait3A_269 = arith.constant 0 : i32
      %dma_wait3A_270 = tpu.memref_slice %arg4[%mul3A_2, %dma_wait3A_269] : memref<819200x128xf32, #tpu.memory_space<hbm>> -> memref<128x128xf32, #tpu.memory_space<hbm>>
      %dma_wait3A_271 = tpu.memref_slice %arg8[%dma_wait3A_264] : memref<5x!tpu.dma_semaphore, #tpu.memory_space<semaphore_mem>> -> memref<1x!tpu.dma_semaphore, #tpu.memory_space<semaphore_mem>>
      %dma_wait3A_272 = tpu.memref_squeeze %dma_wait3A_271 : memref<1x!tpu.dma_semaphore, #tpu.memory_space<semaphore_mem>> -> memref<!tpu.dma_semaphore, #tpu.memory_space<semaphore_mem>>
      %dma_wait3A_273 = arith.constant 0 : i32
      %dma_wait3A_274 = tpu.memref_slice %arg4[%mul3A_2, %dma_wait3A_273] : memref<819200x128xf32, #tpu.memory_space<hbm>> -> memref<128x128xf32, #tpu.memory_space<hbm>>
      %dma_wait3A_275 = arith.constant 0 : i32
      %dma_wait3A_276 = arith.constant 0 : i32
      %dma_wait3A_277 = tpu.memref_slice %arg6[%dma_wait3A_263, %dma_wait3A_275, %dma_wait3A_276] : memref<5x128x128xf32, #tpu.memory_space<vmem>> -> memref<1x128x128xf32, #tpu.memory_space<vmem>>
      %dma_wait3A_278 = tpu.memref_squeeze %dma_wait3A_277 : memref<1x128x128xf32, #tpu.memory_space<vmem>> -> memref<128x128xf32, #tpu.memory_space<vmem>>
      tpu.wait_dma2 semaphore(%dma_wait3A_272 : memref<!tpu.dma_semaphore, #tpu.memory_space<semaphore_mem>>) src(%dma_wait3A_278 : memref<128x128xf32, #tpu.memory_space<vmem>>) dst(%dma_wait3A_274 : memref<128x128xf32, #tpu.memory_space<hbm>>)
      %lt3A = arith.constant 39 : i32
      %lt3A_279 = arith.cmpi slt, %scan3A_84, %lt3A : i32
      %convert_element_type3A_280 = arith.extui %lt3A_279 : i1 to i32
      %cond3A_281 = arith.constant 0 : i32
      %cond3A_282 = arith.cmpi ne, %convert_element_type3A_280, %cond3A_281 : i32
      scf.if %cond3A_282 {
        %add3A_376 = arith.constant 2 : i32
        %add3A_377 = arith.addi %add3A_262, %add3A_376 : i32
        %dma_start3A_378 = arith.constant 0 : i32
        %dma_start3A_379 = arith.constant 0 : i32
        %dma_start3A_380 = arith.constant 0 : i32
        %dma_start3A_381 = arith.constant 0 : i32
        %dma_start3A_382 = tpu.memref_slice %arg6[%dma_start3A_378, %dma_start3A_380, %dma_start3A_381] : memref<5x128x128xf32, #tpu.memory_space<vmem>> -> memref<1x128x128xf32, #tpu.memory_space<vmem>>
        %dma_start3A_383 = tpu.memref_squeeze %dma_start3A_382 : memref<1x128x128xf32, #tpu.memory_space<vmem>> -> memref<128x128xf32, #tpu.memory_space<vmem>>
        %dma_start3A_384 = arith.constant 0 : i32
        %dma_start3A_385 = tpu.memref_slice %arg5[%add3A_377, %dma_start3A_384] : memref<200x128xi32, #tpu.memory_space<vmem>> -> memref<1x128xi32, #tpu.memory_space<vmem>>
        %dma_start3A_386 = tpu.memref_squeeze %dma_start3A_385 : memref<1x128xi32, #tpu.memory_space<vmem>> -> memref<128xi32, #tpu.memory_space<vmem>>
        %dma_start3A_387 = arith.constant 0 : i32
        %dma_start3A_388 = arith.constant 0 : i32
        %dma_start3A_389 = tpu.memref_slice %arg3[%dma_start3A_387, %dma_start3A_388] : memref<1000000x128xf32, #tpu.memory_space<hbm>> -> memref<1000000x128xf32, #tpu.memory_space<hbm>>
        %dma_start3A_390 = tpu.memref_slice %arg7[%dma_start3A_379] : memref<5x!tpu.dma_semaphore, #tpu.memory_space<semaphore_mem>> -> memref<1x!tpu.dma_semaphore, #tpu.memory_space<semaphore_mem>>
        %dma_start3A_391 = tpu.memref_squeeze %dma_start3A_390 : memref<1x!tpu.dma_semaphore, #tpu.memory_space<semaphore_mem>> -> memref<!tpu.dma_semaphore, #tpu.memory_space<semaphore_mem>>
        tpu.enqueue_indirect_dma source(%dma_start3A_389 : memref<1000000x128xf32, #tpu.memory_space<hbm>>) target(%dma_start3A_383 : memref<128x128xf32, #tpu.memory_space<vmem>>) offsets(%dma_start3A_386 : memref<128xi32, #tpu.memory_space<vmem>>) semaphore(%dma_start3A_391 : memref<!tpu.dma_semaphore, #tpu.memory_space<semaphore_mem>>)
      } else {
      }
      %dma_wait3A_283 = arith.constant 0 : i32
      %dma_wait3A_284 = arith.constant 3 : i32
      %dma_wait3A_285 = arith.constant 3 : i32
      %dma_wait3A_286 = arith.constant 0 : i32
      %dma_wait3A_287 = arith.constant 0 : i32
      %dma_wait3A_288 = tpu.memref_slice %arg6[%dma_wait3A_284, %dma_wait3A_286, %dma_wait3A_287] : memref<5x128x128xf32, #tpu.memory_space<vmem>> -> memref<1x128x128xf32, #tpu.memory_space<vmem>>
      %dma_wait3A_289 = tpu.memref_squeeze %dma_wait3A_288 : memref<1x128x128xf32, #tpu.memory_space<vmem>> -> memref<128x128xf32, #tpu.memory_space<vmem>>
      %dma_wait3A_290 = arith.constant 0 : i32
      %dma_wait3A_291 = tpu.memref_slice %arg5[%dma_wait3A_283, %dma_wait3A_290] : memref<200x128xi32, #tpu.memory_space<vmem>> -> memref<1x128xi32, #tpu.memory_space<vmem>>
      %dma_wait3A_292 = tpu.memref_squeeze %dma_wait3A_291 : memref<1x128xi32, #tpu.memory_space<vmem>> -> memref<128xi32, #tpu.memory_space<vmem>>
      %dma_wait3A_293 = arith.constant 0 : i32
      %dma_wait3A_294 = arith.constant 0 : i32
      %dma_wait3A_295 = tpu.memref_slice %arg3[%dma_wait3A_293, %dma_wait3A_294] : memref<1000000x128xf32, #tpu.memory_space<hbm>> -> memref<1000000x128xf32, #tpu.memory_space<hbm>>
      %dma_wait3A_296 = tpu.memref_slice %arg7[%dma_wait3A_285] : memref<5x!tpu.dma_semaphore, #tpu.memory_space<semaphore_mem>> -> memref<1x!tpu.dma_semaphore, #tpu.memory_space<semaphore_mem>>
      %dma_wait3A_297 = tpu.memref_squeeze %dma_wait3A_296 : memref<1x!tpu.dma_semaphore, #tpu.memory_space<semaphore_mem>> -> memref<!tpu.dma_semaphore, #tpu.memory_space<semaphore_mem>>
      tpu.wait_indirect_dma semaphore(%dma_wait3A_297 : memref<!tpu.dma_semaphore, #tpu.memory_space<semaphore_mem>>) src(%dma_wait3A_295 : memref<1000000x128xf32, #tpu.memory_space<hbm>>) dst(%dma_wait3A_289 : memref<128x128xf32, #tpu.memory_space<vmem>>)
      %mul3A_298 = arith.constant 128 : i32
      %mul3A_299 = arith.muli %add3A_262, %mul3A_298 : i32
      %add3A_300 = arith.addi %mul3A_2, %mul3A_299 : i32
      %dma_start3A_301 = arith.constant 3 : i32
      %dma_start3A_302 = arith.constant 3 : i32
      %dma_start3A_303 = arith.constant 0 : i32
      %dma_start3A_304 = arith.constant 0 : i32
      %dma_start3A_305 = tpu.memref_slice %arg6[%dma_start3A_301, %dma_start3A_303, %dma_start3A_304] : memref<5x128x128xf32, #tpu.memory_space<vmem>> -> memref<1x128x128xf32, #tpu.memory_space<vmem>>
      %dma_start3A_306 = tpu.memref_squeeze %dma_start3A_305 : memref<1x128x128xf32, #tpu.memory_space<vmem>> -> memref<128x128xf32, #tpu.memory_space<vmem>>
      %dma_start3A_307 = arith.constant 0 : i32
      %dma_start3A_308 = tpu.memref_slice %arg4[%add3A_300, %dma_start3A_307] : memref<819200x128xf32, #tpu.memory_space<hbm>> -> memref<128x128xf32, #tpu.memory_space<hbm>>
      %dma_start3A_309 = tpu.memref_slice %arg8[%dma_start3A_302] : memref<5x!tpu.dma_semaphore, #tpu.memory_space<semaphore_mem>> -> memref<1x!tpu.dma_semaphore, #tpu.memory_space<semaphore_mem>>
      %dma_start3A_310 = tpu.memref_squeeze %dma_start3A_309 : memref<1x!tpu.dma_semaphore, #tpu.memory_space<semaphore_mem>> -> memref<!tpu.dma_semaphore, #tpu.memory_space<semaphore_mem>>
      %dma_start3A_311 = arith.constant 0 : i32
      %dma_start3A_312 = tpu.memref_slice %arg4[%add3A_300, %dma_start3A_311] : memref<819200x128xf32, #tpu.memory_space<hbm>> -> memref<128x128xf32, #tpu.memory_space<hbm>>
      %dma_start3A_313 = arith.constant 0 : i32
      %dma_start3A_314 = arith.constant 0 : i32
      %dma_start3A_315 = tpu.memref_slice %arg6[%dma_start3A_301, %dma_start3A_313, %dma_start3A_314] : memref<5x128x128xf32, #tpu.memory_space<vmem>> -> memref<1x128x128xf32, #tpu.memory_space<vmem>>
      %dma_start3A_316 = tpu.memref_squeeze %dma_start3A_315 : memref<1x128x128xf32, #tpu.memory_space<vmem>> -> memref<128x128xf32, #tpu.memory_space<vmem>>
      tpu.enqueue_dma source(%dma_start3A_316 : memref<128x128xf32, #tpu.memory_space<vmem>>) target(%dma_start3A_312 : memref<128x128xf32, #tpu.memory_space<hbm>>) target_semaphore(%dma_start3A_310 : memref<!tpu.dma_semaphore, #tpu.memory_space<semaphore_mem>>)
      %mul3A_317 = arith.constant 5 : i32
      %mul3A_318 = arith.muli %scan3A_84, %mul3A_317 : i32
      %add3A_319 = arith.constant 4 : i32
      %add3A_320 = arith.addi %mul3A_318, %add3A_319 : i32
      %dma_wait3A_321 = arith.constant 1 : i32
      %dma_wait3A_322 = arith.constant 1 : i32
      %dma_wait3A_323 = arith.constant 0 : i32
      %dma_wait3A_324 = arith.constant 0 : i32
      %dma_wait3A_325 = tpu.memref_slice %arg6[%dma_wait3A_321, %dma_wait3A_323, %dma_wait3A_324] : memref<5x128x128xf32, #tpu.memory_space<vmem>> -> memref<1x128x128xf32, #tpu.memory_space<vmem>>
      %dma_wait3A_326 = tpu.memref_squeeze %dma_wait3A_325 : memref<1x128x128xf32, #tpu.memory_space<vmem>> -> memref<128x128xf32, #tpu.memory_space<vmem>>
      %dma_wait3A_327 = arith.constant 0 : i32
      %dma_wait3A_328 = tpu.memref_slice %arg4[%mul3A_2, %dma_wait3A_327] : memref<819200x128xf32, #tpu.memory_space<hbm>> -> memref<128x128xf32, #tpu.memory_space<hbm>>
      %dma_wait3A_329 = tpu.memref_slice %arg8[%dma_wait3A_322] : memref<5x!tpu.dma_semaphore, #tpu.memory_space<semaphore_mem>> -> memref<1x!tpu.dma_semaphore, #tpu.memory_space<semaphore_mem>>
      %dma_wait3A_330 = tpu.memref_squeeze %dma_wait3A_329 : memref<1x!tpu.dma_semaphore, #tpu.memory_space<semaphore_mem>> -> memref<!tpu.dma_semaphore, #tpu.memory_space<semaphore_mem>>
      %dma_wait3A_331 = arith.constant 0 : i32
      %dma_wait3A_332 = tpu.memref_slice %arg4[%mul3A_2, %dma_wait3A_331] : memref<819200x128xf32, #tpu.memory_space<hbm>> -> memref<128x128xf32, #tpu.memory_space<hbm>>
      %dma_wait3A_333 = arith.constant 0 : i32
      %dma_wait3A_334 = arith.constant 0 : i32
      %dma_wait3A_335 = tpu.memref_slice %arg6[%dma_wait3A_321, %dma_wait3A_333, %dma_wait3A_334] : memref<5x128x128xf32, #tpu.memory_space<vmem>> -> memref<1x128x128xf32, #tpu.memory_space<vmem>>
      %dma_wait3A_336 = tpu.memref_squeeze %dma_wait3A_335 : memref<1x128x128xf32, #tpu.memory_space<vmem>> -> memref<128x128xf32, #tpu.memory_space<vmem>>
      tpu.wait_dma2 semaphore(%dma_wait3A_330 : memref<!tpu.dma_semaphore, #tpu.memory_space<semaphore_mem>>) src(%dma_wait3A_336 : memref<128x128xf32, #tpu.memory_space<vmem>>) dst(%dma_wait3A_332 : memref<128x128xf32, #tpu.memory_space<hbm>>)
      %lt3A_337 = arith.constant 39 : i32
      %lt3A_338 = arith.cmpi slt, %scan3A_84, %lt3A_337 : i32
      %convert_element_type3A_339 = arith.extui %lt3A_338 : i1 to i32
      %cond3A_340 = arith.constant 0 : i32
      %cond3A_341 = arith.cmpi ne, %convert_element_type3A_339, %cond3A_340 : i32
      scf.if %cond3A_341 {
        %add3A_376 = arith.constant 2 : i32
        %add3A_377 = arith.addi %add3A_320, %add3A_376 : i32
        %dma_start3A_378 = arith.constant 1 : i32
        %dma_start3A_379 = arith.constant 1 : i32
        %dma_start3A_380 = arith.constant 0 : i32
        %dma_start3A_381 = arith.constant 0 : i32
        %dma_start3A_382 = tpu.memref_slice %arg6[%dma_start3A_378, %dma_start3A_380, %dma_start3A_381] : memref<5x128x128xf32, #tpu.memory_space<vmem>> -> memref<1x128x128xf32, #tpu.memory_space<vmem>>
        %dma_start3A_383 = tpu.memref_squeeze %dma_start3A_382 : memref<1x128x128xf32, #tpu.memory_space<vmem>> -> memref<128x128xf32, #tpu.memory_space<vmem>>
        %dma_start3A_384 = arith.constant 0 : i32
        %dma_start3A_385 = tpu.memref_slice %arg5[%add3A_377, %dma_start3A_384] : memref<200x128xi32, #tpu.memory_space<vmem>> -> memref<1x128xi32, #tpu.memory_space<vmem>>
        %dma_start3A_386 = tpu.memref_squeeze %dma_start3A_385 : memref<1x128xi32, #tpu.memory_space<vmem>> -> memref<128xi32, #tpu.memory_space<vmem>>
        %dma_start3A_387 = arith.constant 0 : i32
        %dma_start3A_388 = arith.constant 0 : i32
        %dma_start3A_389 = tpu.memref_slice %arg3[%dma_start3A_387, %dma_start3A_388] : memref<1000000x128xf32, #tpu.memory_space<hbm>> -> memref<1000000x128xf32, #tpu.memory_space<hbm>>
        %dma_start3A_390 = tpu.memref_slice %arg7[%dma_start3A_379] : memref<5x!tpu.dma_semaphore, #tpu.memory_space<semaphore_mem>> -> memref<1x!tpu.dma_semaphore, #tpu.memory_space<semaphore_mem>>
        %dma_start3A_391 = tpu.memref_squeeze %dma_start3A_390 : memref<1x!tpu.dma_semaphore, #tpu.memory_space<semaphore_mem>> -> memref<!tpu.dma_semaphore, #tpu.memory_space<semaphore_mem>>
        tpu.enqueue_indirect_dma source(%dma_start3A_389 : memref<1000000x128xf32, #tpu.memory_space<hbm>>) target(%dma_start3A_383 : memref<128x128xf32, #tpu.memory_space<vmem>>) offsets(%dma_start3A_386 : memref<128xi32, #tpu.memory_space<vmem>>) semaphore(%dma_start3A_391 : memref<!tpu.dma_semaphore, #tpu.memory_space<semaphore_mem>>)
      } else {
      }
      %dma_wait3A_342 = arith.constant 0 : i32
      %dma_wait3A_343 = arith.constant 4 : i32
      %dma_wait3A_344 = arith.constant 4 : i32
      %dma_wait3A_345 = arith.constant 0 : i32
      %dma_wait3A_346 = arith.constant 0 : i32
      %dma_wait3A_347 = tpu.memref_slice %arg6[%dma_wait3A_343, %dma_wait3A_345, %dma_wait3A_346] : memref<5x128x128xf32, #tpu.memory_space<vmem>> -> memref<1x128x128xf32, #tpu.memory_space<vmem>>
      %dma_wait3A_348 = tpu.memref_squeeze %dma_wait3A_347 : memref<1x128x128xf32, #tpu.memory_space<vmem>> -> memref<128x128xf32, #tpu.memory_space<vmem>>
      %dma_wait3A_349 = arith.constant 0 : i32
      %dma_wait3A_350 = tpu.memref_slice %arg5[%dma_wait3A_342, %dma_wait3A_349] : memref<200x128xi32, #tpu.memory_space<vmem>> -> memref<1x128xi32, #tpu.memory_space<vmem>>
      %dma_wait3A_351 = tpu.memref_squeeze %dma_wait3A_350 : memref<1x128xi32, #tpu.memory_space<vmem>> -> memref<128xi32, #tpu.memory_space<vmem>>
      %dma_wait3A_352 = arith.constant 0 : i32
      %dma_wait3A_353 = arith.constant 0 : i32
      %dma_wait3A_354 = tpu.memref_slice %arg3[%dma_wait3A_352, %dma_wait3A_353] : memref<1000000x128xf32, #tpu.memory_space<hbm>> -> memref<1000000x128xf32, #tpu.memory_space<hbm>>
      %dma_wait3A_355 = tpu.memref_slice %arg7[%dma_wait3A_344] : memref<5x!tpu.dma_semaphore, #tpu.memory_space<semaphore_mem>> -> memref<1x!tpu.dma_semaphore, #tpu.memory_space<semaphore_mem>>
      %dma_wait3A_356 = tpu.memref_squeeze %dma_wait3A_355 : memref<1x!tpu.dma_semaphore, #tpu.memory_space<semaphore_mem>> -> memref<!tpu.dma_semaphore, #tpu.memory_space<semaphore_mem>>
      tpu.wait_indirect_dma semaphore(%dma_wait3A_356 : memref<!tpu.dma_semaphore, #tpu.memory_space<semaphore_mem>>) src(%dma_wait3A_354 : memref<1000000x128xf32, #tpu.memory_space<hbm>>) dst(%dma_wait3A_348 : memref<128x128xf32, #tpu.memory_space<vmem>>)
      %mul3A_357 = arith.constant 128 : i32
      %mul3A_358 = arith.muli %add3A_320, %mul3A_357 : i32
      %add3A_359 = arith.addi %mul3A_2, %mul3A_358 : i32
      %dma_start3A_360 = arith.constant 4 : i32
      %dma_start3A_361 = arith.constant 4 : i32
      %dma_start3A_362 = arith.constant 0 : i32
      %dma_start3A_363 = arith.constant 0 : i32
      %dma_start3A_364 = tpu.memref_slice %arg6[%dma_start3A_360, %dma_start3A_362, %dma_start3A_363] : memref<5x128x128xf32, #tpu.memory_space<vmem>> -> memref<1x128x128xf32, #tpu.memory_space<vmem>>
      %dma_start3A_365 = tpu.memref_squeeze %dma_start3A_364 : memref<1x128x128xf32, #tpu.memory_space<vmem>> -> memref<128x128xf32, #tpu.memory_space<vmem>>
      %dma_start3A_366 = arith.constant 0 : i32
      %dma_start3A_367 = tpu.memref_slice %arg4[%add3A_359, %dma_start3A_366] : memref<819200x128xf32, #tpu.memory_space<hbm>> -> memref<128x128xf32, #tpu.memory_space<hbm>>
      %dma_start3A_368 = tpu.memref_slice %arg8[%dma_start3A_361] : memref<5x!tpu.dma_semaphore, #tpu.memory_space<semaphore_mem>> -> memref<1x!tpu.dma_semaphore, #tpu.memory_space<semaphore_mem>>
      %dma_start3A_369 = tpu.memref_squeeze %dma_start3A_368 : memref<1x!tpu.dma_semaphore, #tpu.memory_space<semaphore_mem>> -> memref<!tpu.dma_semaphore, #tpu.memory_space<semaphore_mem>>
      %dma_start3A_370 = arith.constant 0 : i32
      %dma_start3A_371 = tpu.memref_slice %arg4[%add3A_359, %dma_start3A_370] : memref<819200x128xf32, #tpu.memory_space<hbm>> -> memref<128x128xf32, #tpu.memory_space<hbm>>
      %dma_start3A_372 = arith.constant 0 : i32
      %dma_start3A_373 = arith.constant 0 : i32
      %dma_start3A_374 = tpu.memref_slice %arg6[%dma_start3A_360, %dma_start3A_372, %dma_start3A_373] : memref<5x128x128xf32, #tpu.memory_space<vmem>> -> memref<1x128x128xf32, #tpu.memory_space<vmem>>
      %dma_start3A_375 = tpu.memref_squeeze %dma_start3A_374 : memref<1x128x128xf32, #tpu.memory_space<vmem>> -> memref<128x128xf32, #tpu.memory_space<vmem>>
      tpu.enqueue_dma source(%dma_start3A_375 : memref<128x128xf32, #tpu.memory_space<vmem>>) target(%dma_start3A_371 : memref<128x128xf32, #tpu.memory_space<hbm>>) target_semaphore(%dma_start3A_369 : memref<!tpu.dma_semaphore, #tpu.memory_space<semaphore_mem>>)
    }
    %scan3A_36 = arith.constant 40 : i32
    %dma_wait3A = arith.constant 2 : i32
    %dma_wait3A_37 = arith.constant 2 : i32
    %dma_wait3A_38 = arith.constant 0 : i32
    %dma_wait3A_39 = arith.constant 0 : i32
    %dma_wait3A_40 = tpu.memref_slice %arg6[%dma_wait3A, %dma_wait3A_38, %dma_wait3A_39] : memref<5x128x128xf32, #tpu.memory_space<vmem>> -> memref<1x128x128xf32, #tpu.memory_space<vmem>>
    %dma_wait3A_41 = tpu.memref_squeeze %dma_wait3A_40 : memref<1x128x128xf32, #tpu.memory_space<vmem>> -> memref<128x128xf32, #tpu.memory_space<vmem>>
    %dma_wait3A_42 = arith.constant 0 : i32
    %dma_wait3A_43 = tpu.memref_slice %arg4[%mul3A_2, %dma_wait3A_42] : memref<819200x128xf32, #tpu.memory_space<hbm>> -> memref<128x128xf32, #tpu.memory_space<hbm>>
    %dma_wait3A_44 = tpu.memref_slice %arg8[%dma_wait3A_37] : memref<5x!tpu.dma_semaphore, #tpu.memory_space<semaphore_mem>> -> memref<1x!tpu.dma_semaphore, #tpu.memory_space<semaphore_mem>>
    %dma_wait3A_45 = tpu.memref_squeeze %dma_wait3A_44 : memref<1x!tpu.dma_semaphore, #tpu.memory_space<semaphore_mem>> -> memref<!tpu.dma_semaphore, #tpu.memory_space<semaphore_mem>>
    %dma_wait3A_46 = arith.constant 0 : i32
    %dma_wait3A_47 = tpu.memref_slice %arg4[%mul3A_2, %dma_wait3A_46] : memref<819200x128xf32, #tpu.memory_space<hbm>> -> memref<128x128xf32, #tpu.memory_space<hbm>>
    %dma_wait3A_48 = arith.constant 0 : i32
    %dma_wait3A_49 = arith.constant 0 : i32
    %dma_wait3A_50 = tpu.memref_slice %arg6[%dma_wait3A, %dma_wait3A_48, %dma_wait3A_49] : memref<5x128x128xf32, #tpu.memory_space<vmem>> -> memref<1x128x128xf32, #tpu.memory_space<vmem>>
    %dma_wait3A_51 = tpu.memref_squeeze %dma_wait3A_50 : memref<1x128x128xf32, #tpu.memory_space<vmem>> -> memref<128x128xf32, #tpu.memory_space<vmem>>
    tpu.wait_dma2 semaphore(%dma_wait3A_45 : memref<!tpu.dma_semaphore, #tpu.memory_space<semaphore_mem>>) src(%dma_wait3A_51 : memref<128x128xf32, #tpu.memory_space<vmem>>) dst(%dma_wait3A_47 : memref<128x128xf32, #tpu.memory_space<hbm>>)
    %dma_wait3A_52 = arith.constant 3 : i32
    %dma_wait3A_53 = arith.constant 3 : i32
    %dma_wait3A_54 = arith.constant 0 : i32
    %dma_wait3A_55 = arith.constant 0 : i32
    %dma_wait3A_56 = tpu.memref_slice %arg6[%dma_wait3A_52, %dma_wait3A_54, %dma_wait3A_55] : memref<5x128x128xf32, #tpu.memory_space<vmem>> -> memref<1x128x128xf32, #tpu.memory_space<vmem>>
    %dma_wait3A_57 = tpu.memref_squeeze %dma_wait3A_56 : memref<1x128x128xf32, #tpu.memory_space<vmem>> -> memref<128x128xf32, #tpu.memory_space<vmem>>
    %dma_wait3A_58 = arith.constant 0 : i32
    %dma_wait3A_59 = tpu.memref_slice %arg4[%mul3A_2, %dma_wait3A_58] : memref<819200x128xf32, #tpu.memory_space<hbm>> -> memref<128x128xf32, #tpu.memory_space<hbm>>
    %dma_wait3A_60 = tpu.memref_slice %arg8[%dma_wait3A_53] : memref<5x!tpu.dma_semaphore, #tpu.memory_space<semaphore_mem>> -> memref<1x!tpu.dma_semaphore, #tpu.memory_space<semaphore_mem>>
    %dma_wait3A_61 = tpu.memref_squeeze %dma_wait3A_60 : memref<1x!tpu.dma_semaphore, #tpu.memory_space<semaphore_mem>> -> memref<!tpu.dma_semaphore, #tpu.memory_space<semaphore_mem>>
    %dma_wait3A_62 = arith.constant 0 : i32
    %dma_wait3A_63 = tpu.memref_slice %arg4[%mul3A_2, %dma_wait3A_62] : memref<819200x128xf32, #tpu.memory_space<hbm>> -> memref<128x128xf32, #tpu.memory_space<hbm>>
    %dma_wait3A_64 = arith.constant 0 : i32
    %dma_wait3A_65 = arith.constant 0 : i32
    %dma_wait3A_66 = tpu.memref_slice %arg6[%dma_wait3A_52, %dma_wait3A_64, %dma_wait3A_65] : memref<5x128x128xf32, #tpu.memory_space<vmem>> -> memref<1x128x128xf32, #tpu.memory_space<vmem>>
    %dma_wait3A_67 = tpu.memref_squeeze %dma_wait3A_66 : memref<1x128x128xf32, #tpu.memory_space<vmem>> -> memref<128x128xf32, #tpu.memory_space<vmem>>
    tpu.wait_dma2 semaphore(%dma_wait3A_61 : memref<!tpu.dma_semaphore, #tpu.memory_space<semaphore_mem>>) src(%dma_wait3A_67 : memref<128x128xf32, #tpu.memory_space<vmem>>) dst(%dma_wait3A_63 : memref<128x128xf32, #tpu.memory_space<hbm>>)
    %dma_wait3A_68 = arith.constant 4 : i32
    %dma_wait3A_69 = arith.constant 4 : i32
    %dma_wait3A_70 = arith.constant 0 : i32
    %dma_wait3A_71 = arith.constant 0 : i32
    %dma_wait3A_72 = tpu.memref_slice %arg6[%dma_wait3A_68, %dma_wait3A_70, %dma_wait3A_71] : memref<5x128x128xf32, #tpu.memory_space<vmem>> -> memref<1x128x128xf32, #tpu.memory_space<vmem>>
    %dma_wait3A_73 = tpu.memref_squeeze %dma_wait3A_72 : memref<1x128x128xf32, #tpu.memory_space<vmem>> -> memref<128x128xf32, #tpu.memory_space<vmem>>
    %dma_wait3A_74 = arith.constant 0 : i32
    %dma_wait3A_75 = tpu.memref_slice %arg4[%mul3A_2, %dma_wait3A_74] : memref<819200x128xf32, #tpu.memory_space<hbm>> -> memref<128x128xf32, #tpu.memory_space<hbm>>
    %dma_wait3A_76 = tpu.memref_slice %arg8[%dma_wait3A_69] : memref<5x!tpu.dma_semaphore, #tpu.memory_space<semaphore_mem>> -> memref<1x!tpu.dma_semaphore, #tpu.memory_space<semaphore_mem>>
    %dma_wait3A_77 = tpu.memref_squeeze %dma_wait3A_76 : memref<1x!tpu.dma_semaphore, #tpu.memory_space<semaphore_mem>> -> memref<!tpu.dma_semaphore, #tpu.memory_space<semaphore_mem>>
    %dma_wait3A_78 = arith.constant 0 : i32
    %dma_wait3A_79 = tpu.memref_slice %arg4[%mul3A_2, %dma_wait3A_78] : memref<819200x128xf32, #tpu.memory_space<hbm>> -> memref<128x128xf32, #tpu.memory_space<hbm>>
    %dma_wait3A_80 = arith.constant 0 : i32
    %dma_wait3A_81 = arith.constant 0 : i32
    %dma_wait3A_82 = tpu.memref_slice %arg6[%dma_wait3A_68, %dma_wait3A_80, %dma_wait3A_81] : memref<5x128x128xf32, #tpu.memory_space<vmem>> -> memref<1x128x128xf32, #tpu.memory_space<vmem>>
    %dma_wait3A_83 = tpu.memref_squeeze %dma_wait3A_82 : memref<1x128x128xf32, #tpu.memory_space<vmem>> -> memref<128x128xf32, #tpu.memory_space<vmem>>
    tpu.wait_dma2 semaphore(%dma_wait3A_77 : memref<!tpu.dma_semaphore, #tpu.memory_space<semaphore_mem>>) src(%dma_wait3A_83 : memref<128x128xf32, #tpu.memory_space<vmem>>) dst(%dma_wait3A_79 : memref<128x128xf32, #tpu.memory_space<hbm>>)
    return
  }
}

module attributes {stable_mosaic.version = 14 : i64} {
  func.func @_relayout_body(%arg0: i32, %arg1: memref<64x16384xf32, #tpu.memory_space<vmem>>, %arg2: memref<16384x128xf32, #tpu.memory_space<vmem>>) attributes {dimension_semantics = [#tpu.dimension_semantics<arbitrary>], iteration_bounds = array<i64: 62>, scalar_prefetch = 0 : i64, scratch_operands = 0 : i64, tpu.core_type = #tpu.core_type<tc>, window_params = [{transform_indices = @transform_0, window_bounds = array<i64: 64, 16384>}, {transform_indices = @transform_1, window_bounds = array<i64: 16384, 128>}]} {
    %get3A = arith.constant 0 : index
    %get3A_0 = arith.constant 0 : index
    %get3A_1 = vector.load %arg1[%get3A, %get3A_0] : memref<64x16384xf32, #tpu.memory_space<vmem>>, vector<64x16384xf32>
    %transpose3A = tpu.transpose %get3A_1, [1, 0] : vector<64x16384xf32> -> vector<16384x64xf32>
    %swap3A = arith.constant 0 : index
    %swap3A_2 = arith.constant 0 : index
    %swap3A_3 = vector.load %arg2[%swap3A, %swap3A_2] : memref<16384x128xf32, #tpu.memory_space<vmem>>, vector<16384x64xf32>
    tpu.vector_store %arg2[%swap3A, %swap3A_2], %transpose3A {strides = array<i32>} : memref<16384x128xf32, #tpu.memory_space<vmem>>, vector<16384x64xf32>,
    return
  }
  func.func @transform_0(%arg0: i32) -> (i32, i32) {
    %c0_i32 = arith.constant 0 : i32
    %c0_i32_0 = arith.constant 0 : i32
    return %c0_i32, %arg0 : i32, i32
  }
  func.func @transform_1(%arg0: i32) -> (i32, i32) {
    %c0_i32 = arith.constant 0 : i32
    %c0_i32_0 = arith.constant 0 : i32
    return %arg0, %c0_i32 : i32, i32
  }
}

</mosaic_0001>

<sc_bundles>
// kernel: kernel.4.cloned.1.call-start
scs
__scs_entry_jumppad:
0x0: {  	(pc) =	sbr.rel $0x88, $3  }
0x1: {  	(tag) =	ssettag $0x0;
	lr =	simm.s32 $0x1  }
0x2: {  	[smem:$0x3F9F] =	sst lr;
	_ =	strace $0xD0000000  }
0x3: {  	_ = 	snop  }
0x4: {  	_ = 	snop  }
0x5: {  	_ = 	snop  }
0x6: {  	_ = 	snop  }
0x7: {  	_ = 	snop  }
__scs_overlays_trampoline_lowered:
0x8: {  	[smem:$0x3FAE] =	sst s0  }
0x9: {  	[smem:$0x3FAF] =	sst s1  }
0xa: {  	[smem:$0x3FB0] =	sst s2  }
0xb: {  	[smem:$0x3FB1] =	sst s3  }
0xc: {  	[smem:$0x3FB2] =	sst s4  }
0xd: {  	[smem:$0x3FB3] =	sst s5  }
0xe: {  	[smem:$0x3FB4] =	sst s6  }
0xf: {  	[smem:$0x3FB5] =	sst s7  }
0x10: {  	[smem:$0x3FB6] =	sst s8  }
0x11: {  	[smem:$0x3FB7] =	sst s9;
	s0 =	simm.s32 @!p0 $0x0  }
0x12: {  	s1 =	sld [smem:$0x3F9D];
	s0 =	simm.s32 @p0 $0x1  }
0x13: {  	[smem:$0x3FB8] =	sst s0;
	s0 =	simm.s32 @!p1 $0x0  }
0x14: {  	s2 =	sld [smem:$0x3F9C];
	s0 =	simm.s32 @p1 $0x1  }
0x15: {  	[smem:$0x3FB9] =	sst s0;
	s0 =	simm.s32 @!p2 $0x0  }
0x16: {  	s3 =	sld [smem:$0x3FDB];
	s0 =	simm.s32 @p2 $0x1  }
0x17: {  	s4 =	simm.s32 $0x1BF5;
	[smem:$0x3FBB] =	sst s0  }
0x18: {  	s0 =	sld [smem:$0x3F9E];
	_ =	swait.ge [sflag:s4], $0x0  }
0x19: {  	s7 =	sld [smem:$0x3F9F]  }
0x1a: {  	s8 =	sadd.s32 $0xFFFFE003, lr  }
0x1b: {  	s9 =	sadd.s32 $0xFFFFFEF7, lr;
	s5 =	simm.s32 $0xFFFFFFFF;
	p2 =	slt.u32 s8, $0xFFFFF086  }
0x1c: {  	p1 =	slt.u32 s9, $0xF7A;
	s5 =	simm.s32 @!p2 $0x0  }
0x1d: {  	s5 =	simm.s32 @p1 $0x1;
	p0 =	seq.s32 s7, s2  }
0x1e: {  	s7 =	smul.u32 @!p0 $0xF7A, s2;
	p2 =	seq.s32 @!p0 s5, $0x0  }
0x1f: {  	s9 =	smul.u32 $0xF7A, s1;
	s8 =	simm.s32 @!p0 $0x1BF5;
	p2 =	por !p2, p0  }
0x20: {  	[sflag:s8] =	ssyncset.s32 @!p0 $0xFFFFF086;
	s6 =	sadd.s32 @!p0 s3, s7;
	s7 =	simm.s32 @!p0 $0x108  }
0x21: {  	s3 =	sadd.s32 s3, s9;
	s6 =	sadd.s32 @!p0 $0x88, s6;
	s7 =	simm.s32 @p2 $0x1082  }
0x22: {  	[simem:s7], [sflag:s8] =	dma.local @!p0 [hbm:s6], $0xF7A  }
0x23: {  	s9 =	sor.u32 $0xD0000000, s2;
	s6 =	simm.s32 $0x108;
	_ =	swait.ge @!p0 [sflag:s8], $0x0  }
0x24: {  	s3 =	sadd.s32 $0x88, s3;
	s6 =	simm.s32 @!p1 $0x1082;
	[sflag:s4] =	ssyncset.s32 $0xFFFFF086  }
0x25: {  	[simem:s6], [sflag:s4] =	dma.local [hbm:s3], $0xF7A  }
0x26: {  	[smem:$0x3F9F] =	sst s1;
	(tag) =	ssettag s2;
	_ =	strace s9  }
0x27: {  	s1 =	sld [smem:$0x3FAF]  }
0x28: {  	s2 =	sld [smem:$0x3FB0]  }
0x29: {  	s4 =	sld [smem:$0x3FB2]  }
0x2a: {  	p0 =	seq.s32 s5, $0x0;
	s5 =	sld [smem:$0x3FB3]  }
0x2b: {  	s6 =	sld [smem:$0x3FB4]  }
0x2c: {  	s7 =	sld [smem:$0x3FB5]  }
0x2d: {  	s3 =	simm.s32 $0x108;
	s8 =	sld [smem:$0x3FB6]  }
0x2e: {  	s3 =	simm.s32 @!p0 $0x1082;
	s9 =	sld [smem:$0x3FB7]  }
0x2f: {  	lr =	sadd.s32 s0, s3;
	s0 =	sld [smem:$0x3FAE]  }
0x30: {  	s3 =	sld [smem:$0x3FB1]  }
0x31: {  	[smem:$0x3FBA] =	sst s10  }
0x32: {  	s10 =	sld [smem:$0x3FB8];
	_ =	sdelay $0x3  }
0x33: {  	p0 =	seq.s32 s10, $0x1;
	s10 =	sld [smem:$0x3FBA];
	_ =	sdelay $0x3  }
0x34: {  	[smem:$0x3FBA] =	sst s10  }
0x35: {  	s10 =	sld [smem:$0x3FB9];
	_ =	sdelay $0x3  }
0x36: {  	p1 =	seq.s32 s10, $0x1;
	s10 =	sld [smem:$0x3FBA];
	_ =	sdelay $0x3  }
0x37: {  	[smem:$0x3FBA] =	sst s10  }
0x38: {  	s10 =	sld [smem:$0x3FBB]  }
0x39: {  	_ = 	snop;
	(pc) =	sbr.ind lr, $3  }
0x3a: {  	_ = 	snop  }
0x3b: {  	_ = 	snop  }
0x3c: {  	p2 =	seq.s32 s10, $0x1;
	s10 =	sld [smem:$0x3FBA]  }
0x3d: {  	_ =	shalt  }
0x3e: {  	_ =	shalt  }
0x3f: {  	_ =	shalt  }
0x40: {  	_ =	shalt  }
0x41: {  	_ =	shalt  }
0x42: {  	_ =	shalt  }
0x43: {  	_ =	shalt  }
0x44: {  	_ =	shalt  }
0x45: {  	_ =	shalt  }
0x46: {  	_ =	shalt  }
0x47: {  	_ =	shalt  }
0x48: {  	_ =	shalt  }
0x49: {  	_ =	shalt  }
0x4a: {  	_ =	shalt  }
0x4b: {  	_ =	shalt  }
0x4c: {  	_ =	shalt  }
0x4d: {  	_ =	shalt  }
0x4e: {  	_ =	shalt  }
0x4f: {  	_ =	shalt  }
0x50: {  	_ =	shalt  }
0x51: {  	_ =	shalt  }
0x52: {  	_ =	shalt  }
0x53: {  	_ =	shalt  }
0x54: {  	_ =	shalt  }
0x55: {  	_ =	shalt  }
0x56: {  	_ =	shalt  }
0x57: {  	_ =	shalt  }
0x58: {  	_ =	shalt  }
0x59: {  	_ =	shalt  }
0x5a: {  	_ =	shalt  }
0x5b: {  	_ =	shalt  }
0x5c: {  	_ =	shalt  }
0x5d: {  	_ =	shalt  }
0x5e: {  	_ =	shalt  }
0x5f: {  	_ =	shalt  }
0x60: {  	_ =	shalt  }
0x61: {  	_ =	shalt  }
0x62: {  	_ =	shalt  }
0x63: {  	_ =	shalt  }
0x64: {  	_ =	shalt  }
0x65: {  	_ =	shalt  }
0x66: {  	_ =	shalt  }
0x67: {  	_ =	shalt  }
0x68: {  	_ =	shalt  }
0x69: {  	_ =	shalt  }
0x6a: {  	_ =	shalt  }
0x6b: {  	_ =	shalt  }
0x6c: {  	_ =	shalt  }
0x6d: {  	_ =	shalt  }
0x6e: {  	_ =	shalt  }
0x6f: {  	_ =	shalt  }
0x70: {  	_ =	shalt  }
0x71: {  	_ =	shalt  }
0x72: {  	_ =	shalt  }
0x73: {  	_ =	shalt  }
0x74: {  	_ =	shalt  }
0x75: {  	_ =	shalt  }
0x76: {  	_ =	shalt  }
0x77: {  	_ =	shalt  }
0x78: {  	_ =	shalt  }
0x79: {  	_ =	shalt  }
0x7a: {  	_ =	shalt  }
0x7b: {  	_ =	shalt  }
0x7c: {  	_ =	shalt  }
0x7d: {  	_ =	shalt  }
0x7e: {  	_ =	shalt  }
0x7f: {  	_ =	shalt  }
0x80: {  	_ =	shalt  }
0x81: {  	_ =	shalt  }
0x82: {  	_ =	shalt  }
0x83: {  	_ =	shalt  }
0x84: {  	_ =	shalt  }
0x85: {  	_ =	shalt  }
0x86: {  	_ =	shalt  }
0x87: {  	_ =	shalt  }
.Lfunc_end0:
.L_simem_size_0:
called_computation.1_lowered:
.L_overlay_start_0:
0x88: {  	s2 =	sld [smem:$0x3FD9]  }
0x89: {  	s3 =	sld [smem:$0x3FFE];
	_ =	sdelay $0x1  }
0x8a: {  	s1 =	srdreg.scid  }
0x8b: {  	s0 =	sand.u32 $0x1, s1  }
0x8c: {  	s17 =	sshll.u32 s0, $0xA;
	s2 =	sadd.s32 s3, s2  }
0x8d: {  	s2 =	sadd.s32 s2, s17  }
0x8e: {  	[smem:$0x3FC6] =	sst s2  }
0x8f: {  	_ = 	snop  }
0x90: {  	s2 =	sld [smem:$0x3FD0];
	(tm) =	ssettm $0x1  }
0x91: {  	s18 =	sld [smem:$0x3FFB];
	_ =	sdelay $0x3  }
0x92: {  	_ =	strace s18  }
0x93: {  	s3 =	sld [smem:$0x3FFC];
	_ =	sdelay $0x3  }
0x94: {  	_ =	strace s3  }
0x95: {  	s3 =	sld [smem:$0x3FFD];
	_ =	sdelay $0x3  }
0x96: {  	_ =	strace s3  }
0x97: {  	_ =	strace $0x8FFFFFFF  }
0x98: {  	s19 =	sld [smem:$0x3FDB];
	_ =	sdelay $0x1  }
0x99: {  	s4 =	simm.s32 $_scs_section_size  }
0x9a: {  	s5 =	simm.s32 $_size__tile_overlayer_lowered;
	s6 =	simm.s32 $_tile_overlayer_lowered  }
0x9b: {  	s22 =	simm.s32 $0x1BFF;
	s21 =	sshll.u32 s6, $0x1;
	s3 =	sadd.s32 s4, s19  }
0x9c: {  	s7 =	simm.s32 $0x0;
	s20 =	sshll.u32 s5, $0x1;
	s5 =	sadd.s32 s21, s3  }
0x9d: {  	[timem:s7], [sflag:s22] =	dma.local [hbm:s5], s20  }
0x9e: {  	_ =	swait.ge [sflag:s22], s20  }
0x9f: {  	s4 =	ssub.s32 $0x0, s20;
	[sflag:s22] =	ssyncset.done $0x0  }
0xa0: {  	[sflag:s22] =	ssyncadd.s32 s4;
	_ =	sdelay $0x1  }
0xa1: {  	s23 =	simm.s32 $0x1B8B  }
0xa2: {  	_ =	swait.ge [sflag:s23], $0x1  }
0xa3: {  	[sflag:s23] =	ssyncset.done $0x0  }
0xa4: {  	s25 =	simm.s32 $0x1B8E;
	s24 =	sld [smem:$0x3FFE];
	[sflag:s23] =	ssyncadd.s32 $0xFFFFFFFF  }
0xa5: {  	s26 =	simm.s32 $execute0_lowered;
	[smem:$0x3FD2] =	sst s25  }
0xa6: {  	s5 =	sshll.u32 s26, $0x1;
	_ =	strace $0x80000046;
	[dreg:$0x1] =	wrdreg $0xFFFFFFFF  }
0xa7: {  	s28 =	simm.s32 $_size_execute0_lowered;
	s3 =	sadd.s32 s3, s5;
	[dreg:$0x0] =	wrdreg $0x0  }
0xa8: {  	s5 =	sshll.u32 s28, $0x1;
	[dreg:$0x2] =	wrdreg s3  }
0xa9: {  	[dreg:$0x3] =	wrdreg s5  }
0xaa: {  	[dreg:$0x4] =	wrdreg $0xC0  }
0xab: {  	_ =	task [dreg:s7], $0x5FFFF  }
0xac: {  	[dreg:$0x1] =	wrdreg $0xFFFFFFFF  }
0xad: {  	[dreg:$0x0] =	wrdreg $0x60  }
0xae: {  	[dreg:$0x2] =	wrdreg s2  }
0xaf: {  	[dreg:$0x3] =	wrdreg s24  }
0xb0: {  	[dreg:$0x4] =	wrdreg $0x9  }
0xb1: {  	_ =	task.clear_ibuf [dreg:s7], $0x5FFFF;
	_ =	strace $0x90000046  }
0xb2: {  	s29 =	simm.s32 $0x9;
	_ =	strace $0x80000048  }
0xb3: {  	_ =	swait.ge [sflag:s29], $0x1  }
0xb4: {  	[sflag:s29] =	ssyncadd.s32 $0xFFFFFFFF  }
0xb5: {  	_ =	strace $0x90000048  }
0xb6: {  	_ =	sfence  }
0xb7: {  	s30 =	sld [smem:$0x0];
	_ =	sdelay $0x2  }
0xb8: {  	s31 =	sshll.u32 s1, $0xD;
	s1 =	sshrl.u32 s1, $0x2  }
0xb9: {  	s3 =	sand.u32 $0x4000, s31;
	s1 =	sadd.s32 s1, s30  }
0xba: {  	s0 =	sor.u32 s3, s0;
	s1 =	sshll.u32 s1, $0x11  }
0xbb: {  	s0 =	sor.u32 s1, s0  }
0xbc: {  	s0 =	sadd.s32 $0x8F2B, s0  }
0xbd: {  	[sflag:s0] =	ssyncadd.remote.s32 $0x1  }
0xbe: {  	_ =	sfence.sel $0xFFFF  }
0xbf: {  	[dreg:$0x0] =	wrdreg $0xFFFFFFFF;
	(pc) =	sbr.abs _section_cstart, $3  }
0xc0: {  	[dreg:$0x1] =	wrdreg $0xFFFFFFFF  }
0xc1: {  	_ =	task.clear_ibuf [dreg:s7], $0x2FFFF;
	_ =	strace $0x9FFFFFFF  }
0xc2: {  	(tm) =	ssettm $0x7FFFFFFF  }
0xc3: {  	_ =	shalt  }
tec
execute0_lowered:
.L_overlay_start_1:
0x0: {  	(tag) =	ssettag $0x1  }
0x1: {  	s4 =	rddreg [dreg:$0x0]  }
0x2: {  	s5 =	rddreg [dreg:$0x1]  }
0x3: {  	s0 =	stileid.u32;
	s2 =	srdreg.scid;
	s10 =	simm.s32 $0xA400  }
0x4: {  	s11 =	simm.s32 $0xE400;
	s12 =	simm.s32 $0x1;
	s13 =	simm.s32 $0x12400  }
0x5: {  	s14 =	simm.s32 $0x2;
	s15 =	simm.s32 $0x16400;
	s16 =	simm.s32 $0x3  }
0x6: {  	s17 =	simm.s32 $0x6;
	s18 =	simm.s32 $0x4;
	s19 =	simm.s32 $0x7  }
0x7: {  	s20 =	simm.s32 $0x5;
	s21 =	simm.s32 $0x8;
	s22 =	simm.s32 $0x9  }
0x8: {  	s23 =	simm.s32 $0xA;
	s24 =	simm.s32 $0x0;
	s3 =	sand.u32 $0x1, s2  }
0x9: {  	s6 =	sshll.u32 s0, $0x1;
	s2 =	simm.s32 $0x0;
	s7 =	smul.u32 $0xC8000, s0  }
0xa: {  	s6 =	sor.u32 s3, s6;
	[smem:$0x7FF] =	sst s2;
	s9 =	smul.u32 $0x64000, s3  }
0xb: {  	s8 =	ssub.s32 $0x2, s3;
	s3 =	sadd.s32 $0x800, s5;
	s6 =	smul.u32 $0x6400, s6  }
0xc: {  	_ =	strace $0x80000047;
	s5 =	sadd.s32 s7, s5;
	s30 =	sshrl.u32 s8, $0x1  }
0xd: {  	s7 =	ssub.s32 s8, s30;
	s31 =	sadd.s32 s9, s5;
	s8 =	simm.s32 $0x80  }
0xe: {  	s9 =	simm.s32 $0x6400;
	s6 =	sshrl.u32 s6, $0x3;
	s5 =	smax.u32 s7, $0x1  }
0xf: {  	s7 =	simm.s32 $0xB;
	s4 =	sadd.s32 s4, s6;
	s6 =	sadd.s32 $0xF44C00, s31  }
.LBB2_1:
0x10: {  	[tilespmem:s2], [sflag:$0xB] =	stream.linear.gather [hbm4b:s4+s2], $0x6400, $0x38;
	[tilespmem:$0x1A400] =	vst v63  }
0x11: {  	_ =	swait.ge [sflag:s7], $0x6400  }
0x12: {  	[sflag:s7] =	ssyncset.done $0x0  }
0x13: {  	p0 =	por $0x1, $0x1;
	[sflag:s7] =	ssyncadd.s32 $0xFFFF9C00  }
0x14: {  	[tilespmem:s9], [sflag:$0x1] =	stream.indirect.gather [hbm4b:s3+s8], $0x80, s2, s8, $0xb8;
	[tilespmem:$0x1A400] =	vst v63  }
0x15: {  	s25 =	simm.s32 @!p0 $0x8  }
0x16: {  	[tilespmem:s10], [sflag:$0x2] =	stream.indirect.gather [hbm4b:s3+s8], $0x80, s8, s8, $0xb8;
	[tilespmem:$0x1A400] =	vst v63  }
0x17: {  	_ =	swait.ge @!p0 [sflag:s25], $0x4000  }
0x18: {  	[sflag:s25] =	ssyncset.done @!p0 $0x0  }
0x19: {  	s30 =	simm.s32 $0x100;
	[sflag:s25] =	ssyncadd.s32 @!p0 $0xFFFFC000  }
0x1a: {  	[tilespmem:s11], [sflag:$0x3] =	stream.indirect.gather [hbm4b:s3+s8], $0x80, s30, s8, $0xb8;
	[tilespmem:$0x1A400] =	vst v63  }
0x1b: {  	_ =	swait.ge [sflag:s12], $0x4000  }
0x1c: {  	[sflag:s12] =	ssyncset.done $0x0  }
0x1d: {  	s31 =	sadd.s32 $0xFFFFE000, s6;
	s26 =	simm.s32 @!p0 $0x9;
	[sflag:s12] =	ssyncadd.s32 $0xFFFFC000  }
0x1e: {  	[hbm4b:s31+s2] =	stream.linear.scatter [tilespmem:s9], [sflag:$0x6], $0x4000, $0x38;
	[tilespmem:$0x1A400] =	vst v63  }
0x1f: {  	_ =	swait.ge @!p0 [sflag:s26], $0x4000  }
0x20: {  	[sflag:s26] =	ssyncset.done @!p0 $0x0  }
0x21: {  	s0 =	simm.s32 $0x180;
	[sflag:s26] =	ssyncadd.s32 @!p0 $0xFFFFC000  }
0x22: {  	[tilespmem:s13], [sflag:$0x4] =	stream.indirect.gather [hbm4b:s3+s8], $0x80, s0, s8, $0xb8;
	[tilespmem:$0x1A400] =	vst v63  }
0x23: {  	_ =	swait.ge [sflag:s14], $0x4000  }
0x24: {  	[sflag:s14] =	ssyncset.done $0x0  }
0x25: {  	s1 =	sadd.s32 $0xFFFFE800, s6;
	s26 =	simm.s32 @!p0 $0xA;
	[sflag:s14] =	ssyncadd.s32 $0xFFFFC000  }
0x26: {  	[hbm4b:s1+s2] =	stream.linear.scatter [tilespmem:s10], [sflag:$0x7], $0x4000, $0x38;
	[tilespmem:$0x1A400] =	vst v63  }
0x27: {  	_ =	swait.ge @!p0 [sflag:s26], $0x4000  }
0x28: {  	[sflag:s26] =	ssyncset.done @!p0 $0x0  }
0x29: {  	[sflag:s26] =	ssyncadd.s32 @!p0 $0xFFFFC000;
	s26 =	simm.s32 $0x200  }
0x2a: {  	[tilespmem:s15], [sflag:$0x5] =	stream.indirect.gather [hbm4b:s3+s8], $0x80, s26, s8, $0xb8;
	[tilespmem:$0x1A400] =	vst v63  }
0x2b: {  	_ =	swait.ge [sflag:s16], $0x4000  }
0x2c: {  	[sflag:s16] =	ssyncset.done $0x0  }
0x2d: {  	s30 =	sadd.s32 $0xFFFFF000, s6;
	[sflag:s16] =	ssyncadd.s32 $0xFFFFC000  }
0x2e: {  	[hbm4b:s30+s2] =	stream.linear.scatter [tilespmem:s11], [sflag:$0x8], $0x4000, $0x38;
	[tilespmem:$0x1A400] =	vst v63  }
0x2f: {  	p0 =	por $0x0, $0x0;
	_ =	swait.ge [sflag:s17], $0x4000  }
0x30: {  	s25 =	simm.s32 @!p0 $0x6400;
	[sflag:s17] =	ssyncset.done $0x0  }
0x31: {  	s26 =	simm.s32 @!p0 $0x280;
	s28 =	simm.s32 @!p0 $0x80;
	[sflag:s17] =	ssyncadd.s32 $0xFFFFC000  }
0x32: {  	[tilespmem:s25], [sflag:$0x1] =	stream.indirect.gather @!p0 [hbm4b:s3+s28], $0x80, s26, s28, $0xb8;
	[tilespmem:$0x1A400] =	vst v63  }
0x33: {  	_ =	swait.ge [sflag:s18], $0x4000  }
0x34: {  	[sflag:s18] =	ssyncset.done $0x0  }
0x35: {  	s31 =	sadd.s32 $0xFFFFF800, s6;
	[sflag:s18] =	ssyncadd.s32 $0xFFFFC000  }
0x36: {  	[hbm4b:s31+s2] =	stream.linear.scatter [tilespmem:s13], [sflag:$0x9], $0x4000, $0x38;
	[tilespmem:$0x1A400] =	vst v63  }
0x37: {  	_ =	swait.ge [sflag:s19], $0x4000  }
0x38: {  	p1 =	por $0x0, $0x0;
	[sflag:s19] =	ssyncset.done $0x0  }
0x39: {  	s25 =	simm.s32 @!p0 $0x300;
	s26 =	simm.s32 @!p0 $0xA400;
	[sflag:s19] =	ssyncadd.s32 $0xFFFFC000  }
0x3a: {  	[tilespmem:s26], [sflag:$0x2] =	stream.indirect.gather @!p0 [hbm4b:s3+s28], $0x80, s25, s28, $0xb8;
	[tilespmem:$0x1A400] =	vst v63  }
0x3b: {  	s29 =	smov.u32 s6;
	s26 =	simm.s32 $0xA00;
	_ =	swait.ge [sflag:s20], $0x4000  }
0x3c: {  	s28 =	simm.s32 $0x1400;
	s25 =	sadd.s32 $0x2800, s6;
	[sflag:s20] =	ssyncset.done $0x0  }
.LBB2_2:
0x3d: {  	s31 =	simm.s32 @!p1 $0x8  }
0x3e: {  	[sflag:s20] =	ssyncadd.s32 $0xFFFFC000;
	s30 =	smov.u32 s28;
	s28 =	sadd.s32 $0xA00, s28  }
0x3f: {  	[hbm4b:s29+s2] =	stream.linear.scatter [tilespmem:s15], [sflag:$0xA], $0x4000, $0x38;
	[tilespmem:$0x1A400] =	vst v63  }
0x40: {  	p0 =	sne.s32 s28, $0x19000;
	s29 =	smov.u32 s25;
	_ =	swait.ge @!p1 [sflag:s31], $0x4000  }
0x41: {  	s0 =	sshra.s32 s26, $0x2;
	[sflag:s31] =	ssyncset.done @!p1 $0x0  }
0x42: {  	[sflag:s31] =	ssyncadd.s32 @!p1 $0xFFFFC000;
	s31 =	sadd.s32 $0x100, s0  }
0x43: {  	[tilespmem:s11], [sflag:$0x3] =	stream.indirect.gather [hbm4b:s3+s8], $0x80, s31, s8, $0xb8;
	[tilespmem:$0x1A400] =	vst v63  }
0x44: {  	_ =	swait.ge [sflag:s12], $0x4000  }
0x45: {  	[sflag:s12] =	ssyncset.done $0x0  }
0x46: {  	s1 =	simm.s32 @!p1 $0x9;
	s31 =	sadd.s32 $0xFFFFE000, s25;
	[sflag:s12] =	ssyncadd.s32 $0xFFFFC000  }
0x47: {  	[hbm4b:s31+s2] =	stream.linear.scatter [tilespmem:s9], [sflag:$0x6], $0x4000, $0x38;
	[tilespmem:$0x1A400] =	vst v63  }
0x48: {  	_ =	swait.ge @!p1 [sflag:s1], $0x4000  }
0x49: {  	[sflag:s1] =	ssyncset.done @!p1 $0x0  }
0x4a: {  	[sflag:s1] =	ssyncadd.s32 @!p1 $0xFFFFC000;
	s1 =	sadd.s32 $0x180, s0  }
0x4b: {  	[tilespmem:s13], [sflag:$0x4] =	stream.indirect.gather [hbm4b:s3+s8], $0x80, s1, s8, $0xb8;
	[tilespmem:$0x1A400] =	vst v63  }
0x4c: {  	_ =	swait.ge [sflag:s14], $0x4000  }
0x4d: {  	[sflag:s14] =	ssyncset.done $0x0  }
0x4e: {  	s31 =	simm.s32 @!p1 $0xA;
	s1 =	sadd.s32 $0xFFFFE800, s25;
	[sflag:s14] =	ssyncadd.s32 $0xFFFFC000  }
0x4f: {  	[hbm4b:s1+s2] =	stream.linear.scatter [tilespmem:s10], [sflag:$0x7], $0x4000, $0x38;
	[tilespmem:$0x1A400] =	vst v63  }
0x50: {  	_ =	swait.ge @!p1 [sflag:s31], $0x4000  }
0x51: {  	[sflag:s31] =	ssyncset.done @!p1 $0x0  }
0x52: {  	s0 =	sadd.s32 $0x200, s0;
	[sflag:s31] =	ssyncadd.s32 @!p1 $0xFFFFC000  }
0x53: {  	[tilespmem:s15], [sflag:$0x5] =	stream.indirect.gather [hbm4b:s3+s8], $0x80, s0, s8, $0xb8;
	[tilespmem:$0x1A400] =	vst v63  }
0x54: {  	_ =	swait.ge [sflag:s16], $0x4000  }
0x55: {  	[sflag:s16] =	ssyncset.done $0x0  }
0x56: {  	s0 =	sadd.s32 $0xFFFFF000, s25;
	[sflag:s16] =	ssyncadd.s32 $0xFFFFC000  }
0x57: {  	[hbm4b:s0+s2] =	stream.linear.scatter [tilespmem:s11], [sflag:$0x8], $0x4000, $0x38;
	[tilespmem:$0x1A400] =	vst v63  }
0x58: {  	p1 =	seq.s32 s26, $0x18600;
	_ =	swait.ge [sflag:s17], $0x4000  }
0x59: {  	s1 =	simm.s32 @!p1 $0x6400;
	s0 =	sshra.s32 @!p1 s26, $0x2;
	[sflag:s17] =	ssyncset.done $0x0  }
0x5a: {  	s31 =	simm.s32 @!p1 $0x80;
	s26 =	sadd.s32 @!p1 $0x280, s0;
	[sflag:s17] =	ssyncadd.s32 $0xFFFFC000  }
0x5b: {  	[tilespmem:s1], [sflag:$0x1] =	stream.indirect.gather @!p1 [hbm4b:s3+s31], $0x80, s26, s31, $0xb8;
	[tilespmem:$0x1A400] =	vst v63  }
0x5c: {  	s0 =	sadd.s32 @!p1 $0x300, s0;
	s26 =	smov.u32 s30;
	_ =	swait.ge [sflag:s18], $0x4000  }
0x5d: {  	[sflag:s18] =	ssyncset.done $0x0  }
0x5e: {  	s1 =	sadd.s32 $0xFFFFF800, s25;
	[sflag:s18] =	ssyncadd.s32 $0xFFFFC000  }
0x5f: {  	[hbm4b:s1+s2] =	stream.linear.scatter [tilespmem:s13], [sflag:$0x9], $0x4000, $0x38;
	[tilespmem:$0x1A400] =	vst v63  }
0x60: {  	_ =	swait.ge [sflag:s19], $0x4000  }
.Ltmp0:
0x61: {  	[sflag:s19] =	ssyncset.done $0x0;
	(pc) =	sbr.rel @p0 .LBB2_2-.Ltmp0, $4  }
0x62: {  	s1 =	simm.s32 @!p1 $0xA400;
	[sflag:s19] =	ssyncadd.s32 $0xFFFFC000  }
0x63: {  	[tilespmem:s1], [sflag:$0x2] =	stream.indirect.gather @!p1 [hbm4b:s3+s31], $0x80, s0, s31, $0xb8;
	[tilespmem:$0x1A400] =	vst v63  }
0x64: {  	_ =	swait.ge [sflag:s20], $0x4000  }
0x65: {  	s25 =	sadd.s32 $0x2800, s25;
	p1 =	seq.s32 s26, $0x0;
	[sflag:s20] =	ssyncset.done $0x0  }
0x66: {  	s0 =	simm.s32 @!p1 $0x8;
	[sflag:s20] =	ssyncadd.s32 $0xFFFFC000  }
0x67: {  	[hbm4b:s29+s2] =	stream.linear.scatter [tilespmem:s15], [sflag:$0xA], $0x4000, $0x38;
	[tilespmem:$0x1A400] =	vst v63  }
0x68: {  	_ =	swait.ge @!p1 [sflag:s0], $0x4000  }
0x69: {  	s1 =	sshra.s32 s26, $0x2;
	[sflag:s0] =	ssyncset.done @!p1 $0x0  }
0x6a: {  	s28 =	sadd.s32 $0x100, s1;
	[sflag:s0] =	ssyncadd.s32 @!p1 $0xFFFFC000  }
0x6b: {  	[tilespmem:s11], [sflag:$0x3] =	stream.indirect.gather [hbm4b:s3+s8], $0x80, s28, s8, $0xb8;
	[tilespmem:$0x1A400] =	vst v63  }
0x6c: {  	_ =	swait.ge [sflag:s12], $0x4000  }
0x6d: {  	[sflag:s12] =	ssyncset.done $0x0  }
0x6e: {  	s29 =	sadd.s32 $0xFFFFE000, s25;
	s28 =	simm.s32 @!p1 $0x9;
	[sflag:s12] =	ssyncadd.s32 $0xFFFFC000  }
0x6f: {  	[hbm4b:s29+s2] =	stream.linear.scatter [tilespmem:s9], [sflag:$0x6], $0x4000, $0x38;
	[tilespmem:$0x1A400] =	vst v63  }
0x70: {  	_ =	swait.ge @!p1 [sflag:s28], $0x4000  }
0x71: {  	[sflag:s28] =	ssyncset.done @!p1 $0x0  }
0x72: {  	s30 =	sadd.s32 $0x180, s1;
	[sflag:s28] =	ssyncadd.s32 @!p1 $0xFFFFC000  }
0x73: {  	[tilespmem:s13], [sflag:$0x4] =	stream.indirect.gather [hbm4b:s3+s8], $0x80, s30, s8, $0xb8;
	[tilespmem:$0x1A400] =	vst v63  }
0x74: {  	_ =	swait.ge [sflag:s14], $0x4000  }
0x75: {  	[sflag:s14] =	ssyncset.done $0x0  }
0x76: {  	s31 =	sadd.s32 $0xFFFFE800, s25;
	s28 =	simm.s32 @!p1 $0xA;
	[sflag:s14] =	ssyncadd.s32 $0xFFFFC000  }
0x77: {  	[hbm4b:s31+s2] =	stream.linear.scatter [tilespmem:s10], [sflag:$0x7], $0x4000, $0x38;
	[tilespmem:$0x1A400] =	vst v63  }
0x78: {  	_ =	swait.ge @!p1 [sflag:s28], $0x4000  }
0x79: {  	[sflag:s28] =	ssyncset.done @!p1 $0x0  }
0x7a: {  	s29 =	sadd.s32 $0x200, s1;
	[sflag:s28] =	ssyncadd.s32 @!p1 $0xFFFFC000  }
0x7b: {  	[tilespmem:s15], [sflag:$0x5] =	stream.indirect.gather [hbm4b:s3+s8], $0x80, s29, s8, $0xb8;
	[tilespmem:$0x1A400] =	vst v63  }
0x7c: {  	_ =	swait.ge [sflag:s16], $0x4000  }
0x7d: {  	[sflag:s16] =	ssyncset.done $0x0  }
0x7e: {  	p0 =	seq.s32 s26, $0x18600;
	s30 =	sadd.s32 $0xFFFFF000, s25;
	[sflag:s16] =	ssyncadd.s32 $0xFFFFC000  }
0x7f: {  	[hbm4b:s30+s2] =	stream.linear.scatter [tilespmem:s11], [sflag:$0x8], $0x4000, $0x38;
	[tilespmem:$0x1A400] =	vst v63  }
0x80: {  	s0 =	sshra.s32 @!p0 s26, $0x2;
	_ =	swait.ge [sflag:s17], $0x4000  }
0x81: {  	s26 =	sadd.s32 @!p0 $0x280, s0;
	[sflag:s17] =	ssyncset.done $0x0  }
0x82: {  	s1 =	simm.s32 @!p0 $0x6400;
	s28 =	simm.s32 @!p0 $0x80;
	[sflag:s17] =	ssyncadd.s32 $0xFFFFC000  }
0x83: {  	[tilespmem:s1], [sflag:$0x1] =	stream.indirect.gather @!p0 [hbm4b:s3+s28], $0x80, s26, s28, $0xb8;
	[tilespmem:$0x1A400] =	vst v63  }
0x84: {  	_ =	swait.ge [sflag:s18], $0x4000  }
0x85: {  	[sflag:s18] =	ssyncset.done $0x0  }
0x86: {  	s31 =	sadd.s32 $0xFFFFF800, s25;
	[sflag:s18] =	ssyncadd.s32 $0xFFFFC000  }
0x87: {  	[hbm4b:s31+s2] =	stream.linear.scatter [tilespmem:s13], [sflag:$0x9], $0x4000, $0x38;
	[tilespmem:$0x1A400] =	vst v63  }
0x88: {  	_ =	swait.ge [sflag:s19], $0x4000  }
0x89: {  	[sflag:s19] =	ssyncset.done $0x0  }
0x8a: {  	s0 =	sadd.s32 @!p0 $0x300, s0;
	s1 =	simm.s32 @!p0 $0xA400;
	[sflag:s19] =	ssyncadd.s32 $0xFFFFC000  }
0x8b: {  	[tilespmem:s1], [sflag:$0x2] =	stream.indirect.gather @!p0 [hbm4b:s3+s28], $0x80, s0, s28, $0xb8;
	[tilespmem:$0x1A400] =	vst v63  }
0x8c: {  	_ =	swait.ge [sflag:s20], $0x4000  }
0x8d: {  	[sflag:s20] =	ssyncset.done $0x0  }
0x8e: {  	[sflag:s20] =	ssyncadd.s32 $0xFFFFC000  }
0x8f: {  	[hbm4b:s25+s2] =	stream.linear.scatter [tilespmem:s15], [sflag:$0xA], $0x4000, $0x38;
	[tilespmem:$0x1A400] =	vst v63  }
0x90: {  	_ =	swait.ge [sflag:s21], $0x4000  }
0x91: {  	[sflag:s21] =	ssyncset.done $0x0  }
0x92: {  	s24 =	sadd.s32 $0x1, s24;
	[sflag:s21] =	ssyncadd.s32 $0xFFFFC000  }
0x93: {  	p0 =	sne.s32 s24, s5;
	_ =	swait.ge [sflag:s22], $0x4000  }
.Ltmp1:
0x94: {  	[sflag:s22] =	ssyncset.done $0x0;
	(pc) =	sbr.rel @p0 .LBB2_1-.Ltmp1, $4  }
0x95: {  	[sflag:s22] =	ssyncadd.s32 $0xFFFFC000  }
0x96: {  	_ =	swait.ge [sflag:s23], $0x4000  }
0x97: {  	[sflag:s23] =	ssyncset.done $0x0  }
0x98: {  	[sflag:s23] =	ssyncadd.s32 $0xFFFFC000  }
0x99: {  	_ =	sfence.sel $0x180000  }
0x9a: {  	[bflag:$0x0] =	sbarrier.arrive $0xFFFF  }
0x9b: {  	_ =	strace $0x90000047  }
0x9c: {  	s0 =	stileid.u32;
	[bflag:$0x2] =	sbarrier.arrive $0xFFFF  }
0x9d: {  	p0 =	sne.s32 s0, $0x0;
	s0 =	rddreg [dreg:$0x2]  }
0x9e: {  	s0 =	sadd.s32 @!p0 $0x100000, s0  }
0x9f: {  	[sflag:s0] =	ssyncadd.tile.s32 @!p0 $0x1;
	_ =	shalt  }
.Lfunc_end2:
_tile_overlayer_lowered:
.L_overlay_start_2:
0xa0: {  	(tag) =	ssettag $0x2  }
0xa1: {  	s0 =	rddreg [dreg:$0x0];
	s2 =	stileid.u32  }
0xa2: {  	s1 =	rddreg [dreg:$0x1];
	p0 =	sne.s32 s2, $0x0  }
0xa3: {  	s3 =	rddreg [dreg:$0x2];
	[bflag:$0x3] =	sbarrier.arrive $0xFFFF;
	s2 =	simm.s32 @!p0 $0x1C0B  }
0xa4: {  	[timem:s3], [sflag:s2] =	dma.local @!p0 [hbm:s0], s1  }
0xa5: {  	s0 =	simm.s32 @!p0 $0xB  }
0xa6: {  	_ =	swait.ge @!p0 [sflag:s0], s1  }
0xa7: {  	s1 =	ssub.s32 @!p0 $0x0, s1;
	[sflag:s0] =	ssyncset.done @!p0 $0x0  }
0xa8: {  	[sflag:s0] =	ssyncadd.s32 @!p0 s1  }
0xa9: {  	[bflag:$0x3] =	sbarrier.arrive $0xFFFF  }
0xaa: {  	_ =	shalt  }

// kernel: sparse-core-data-format-call.cloned.1.call-start
scs
called_computation_lowered:
.L_overlay_start_0:
0x0: {  	s2 =	sld [smem:$0x3FD9]  }
0x1: {  	s3 =	sld [smem:$0x3FFE];
	_ =	sdelay $0x1  }
0x2: {  	s1 =	srdreg.scid  }
0x3: {  	s0 =	sand.u32 $0x1, s1  }
0x4: {  	s18 =	sshll.u32 s0, $0xA;
	s2 =	sadd.s32 s3, s2  }
0x5: {  	s2 =	sadd.s32 s2, s18  }
0x6: {  	[smem:$0x3FC6] =	sst s2  }
0x7: {  	_ = 	snop  }
0x8: {  	s2 =	sld [smem:$0x3FD0];
	(tm) =	ssettm $0x1  }
0x9: {  	s19 =	sld [smem:$0x3FFB];
	_ =	sdelay $0x3  }
0xa: {  	_ =	strace s19  }
0xb: {  	s3 =	sld [smem:$0x3FFC];
	_ =	sdelay $0x3  }
0xc: {  	_ =	strace s3  }
0xd: {  	s3 =	sld [smem:$0x3FFD];
	_ =	sdelay $0x3  }
0xe: {  	_ =	strace s3  }
0xf: {  	_ =	strace $0x8FFFFFFF  }
0x10: {  	s20 =	sld [smem:$0x3FDB];
	_ =	sdelay $0x1  }
0x11: {  	s4 =	simm.s32 $_scs_section_size  }
0x12: {  	s5 =	simm.s32 $_size__tile_overlayer_lowered;
	s6 =	simm.s32 $_tile_overlayer_lowered  }
0x13: {  	s23 =	simm.s32 $0x1BFF;
	s22 =	sshll.u32 s6, $0x1;
	s3 =	sadd.s32 s4, s20  }
0x14: {  	s7 =	simm.s32 $0x0;
	s21 =	sshll.u32 s5, $0x1;
	s5 =	sadd.s32 s22, s3  }
0x15: {  	[timem:s7], [sflag:s23] =	dma.local [hbm:s5], s21  }
0x16: {  	_ =	swait.ge [sflag:s23], s21  }
0x17: {  	s4 =	ssub.s32 $0x0, s21;
	[sflag:s23] =	ssyncset.done $0x0  }
0x18: {  	[sflag:s23] =	ssyncadd.s32 s4;
	_ =	sdelay $0x1  }
0x19: {  	s24 =	simm.s32 $0x1B8B  }
0x1a: {  	_ =	swait.ge [sflag:s24], $0x1  }
0x1b: {  	[sflag:s24] =	ssyncset.done $0x0  }
0x1c: {  	s26 =	simm.s32 $0x1B8E;
	s25 =	sld [smem:$0x3FFE];
	[sflag:s24] =	ssyncadd.s32 $0xFFFFFFFF  }
0x1d: {  	s27 =	simm.s32 $execute0_lowered;
	[smem:$0x3FD2] =	sst s26  }
0x1e: {  	s5 =	sshll.u32 s27, $0x1;
	_ =	strace $0x80000049;
	[dreg:$0x1] =	wrdreg $0xFFFFFFFF  }
0x1f: {  	s28 =	simm.s32 $_size_execute0_lowered;
	s3 =	sadd.s32 s3, s5;
	[dreg:$0x0] =	wrdreg $0x0  }
0x20: {  	s5 =	sshll.u32 s28, $0x1;
	[dreg:$0x2] =	wrdreg s3  }
0x21: {  	[dreg:$0x3] =	wrdreg s5  }
0x22: {  	[dreg:$0x4] =	wrdreg $0xC0  }
0x23: {  	_ =	task [dreg:s7], $0x5FFFF  }
0x24: {  	[dreg:$0x1] =	wrdreg $0xFFFFFFFF  }
0x25: {  	[dreg:$0x0] =	wrdreg $0x60  }
0x26: {  	[dreg:$0x2] =	wrdreg s25  }
0x27: {  	[dreg:$0x3] =	wrdreg s2  }
0x28: {  	[dreg:$0x4] =	wrdreg $0x9  }
0x29: {  	_ =	task.clear_ibuf [dreg:s7], $0x5FFFF;
	_ =	strace $0x90000049  }
0x2a: {  	s29 =	simm.s32 $0x9;
	_ =	strace $0x8000004B  }
0x2b: {  	_ =	swait.ge [sflag:s29], $0x1  }
0x2c: {  	[sflag:s29] =	ssyncadd.s32 $0xFFFFFFFF  }
0x2d: {  	_ =	strace $0x9000004B  }
0x2e: {  	_ =	sfence  }
0x2f: {  	s30 =	sld [smem:$0x0];
	_ =	sdelay $0x2  }
0x30: {  	s31 =	sshll.u32 s1, $0xD;
	s1 =	sshrl.u32 s1, $0x2  }
0x31: {  	s3 =	sand.u32 $0x4000, s31;
	s1 =	sadd.s32 s1, s30  }
0x32: {  	s0 =	sor.u32 s3, s0;
	s1 =	sshll.u32 s1, $0x11  }
0x33: {  	s0 =	sor.u32 s1, s0  }
0x34: {  	s0 =	sadd.s32 $0x8F2B, s0  }
0x35: {  	[sflag:s0] =	ssyncadd.remote.s32 $0x1  }
0x36: {  	_ =	sfence.sel $0xFFFF  }
0x37: {  	[dreg:$0x0] =	wrdreg $0xFFFFFFFF;
	(pc) =	sbr.abs _section_cstart, $3  }
0x38: {  	[dreg:$0x1] =	wrdreg $0xFFFFFFFF  }
0x39: {  	_ =	task.clear_ibuf [dreg:s7], $0x2FFFF;
	_ =	strace $0x9FFFFFFF  }
0x3a: {  	(tm) =	ssettm $0x7FFFFFFF  }
0x3b: {  	_ =	shalt  }
tec
execute0_lowered:
.L_overlay_start_1:
0x0: {  	(tag) =	ssettag $0x1  }
0x1: {  	s0 =	srdreg.scid  }
0x2: {  	s1 =	sshll.u32 s0, $0x4  }
0x3: {  	s0 =	stileid.u32;
	s1 =	sand.u32 $0x10, s1  }
0x4: {  	s1 =	sor.u32 s0, s1  }
0x5: {  	s6 =	rddreg [dreg:$0x0];
	s4 =	simm.s32 $0x1;
	s2 =	sshll.u32 s1, $0x7  }
0x6: {  	s7 =	simm.s32 $0x2;
	s12 =	simm.s32 $0x0;
	s1 =	ssub.s32 $0x1000, s2  }
0x7: {  	s8 =	simm.s32 $0x8000;
	s13 =	simm.s32 $0x0;
	s3 =	sand.u32 $0xF80, s1  }
0x8: {  	s9 =	simm.s32 $0x0;
	s5 =	sshrl.u32 s1, $0xC;
	p0 =	sne.s32 s3, $0x0  }
.Ltmp0:
0x9: {  	s1 =	rddreg [dreg:$0x2];
	s4 =	simm.s32 @!p0 $0x0;
	(pc) =	sbr.rel .LBB1_1-.Ltmp0, $4  }
0xa: {  	s11 =	simm.s32 $0x0;
	s3 =	rddreg [dreg:$0x1];
	s5 =	sadd.s32 s4, s5  }
0xb: {  	_ =	strace $0x8000004A;
	s4 =	simm.s32 $0x1;
	s5 =	smul.u32 $0xC8, s5  }
0xc: {  	s6 =	sadd.s32 $0xF42C00, s6;
	s10 =	smov.u32 s2;
	[sflag:s4] =	ssyncpa.u1 $0x0  }
0xd: {  	p0 =	por $0x0, $0x0;
	[sflag:s7] =	ssyncpa.u1 $0x0;
	s7 =	sor.u32 $0x1, s5  }
.LBB1_4:
0xe: {  	s16 =	sshll.u32 s13, $0x3;
	s17 =	sand.u32 $0x78, s13  }
0xf: {  	s30 =	sand.u32 $0x7E00, s13;
	s12 =	sshll.u32 s12, $0xF;
	s16 =	sand.u32 $0xC00, s16  }
0x10: {  	[tilespmem:s15+$0x810 ss:$0x81] =	vst.msk $0xffff, v2;
	s31 =	sand.u32 $0x7, s13;
	s16 =	sor.u32 s17, s16;
	s17 =	sadd.s32 s3, s30  }
0x11: {  	[tilespmem:s15+$0x1020 ss:$0x81] =	vst.msk $0xffff, v0;
	s13 =	sshll.u32 s31, $0x12;
	s12 =	sadd.s32 s12, s17;
	s16 =	sshrl.u32 s16, $0x3  }
0x12: {  	[tilespmem:s15+$0x0 ss:$0x81] =	vst.msk $0xffff, v1;
	s13 =	sor.u32 $0x400, s13;
	s12 =	sadd.s32 s16, s12  }
0x13: {  	[hbm4b:s12+s13] =	stream.strided.scatter [tilespmem:s14], [sflag:$0x2], $0x2000, s8, s13, $0x20;
	[tilespmem:$0x8080] =	vst v63  }
.LBB1_5:
0x14: {  	s14 =	sadd.s32 $0x1, s9  }
0x15: {  	s12 =	sadd.s32 $0x1000, s10;
	s16 =	smov.u32 s10;
	p2 =	sgt.s32 s14, $0xC7  }
0x16: {  	s16 =	smov.u32 @p2 s12  }
0x17: {  	s14 =	simm.s32 @p2 $0x0;
	p2 =	sgt.s32 s16, $0xFFF  }
0x18: {  	s16 =	smov.u32 @p2 s2;
	p2 =	sne.s32 s11, s7  }
.Ltmp1:
0x19: {  	p1 =	slt.u32 s11, $0x2;
	(pc) =	sbr.rel @!p2 .LBB1_6-.Ltmp1, $4  }
0x1a: {  	s15 =	simm.s32 @!p1 $0x2  }
0x1b: {  	s13 =	smov.u32 s10;
	p0 =	por !p0, !p0;
	_ =	swait.ge @!p1 [sflag:s15], $0x2000  }
0x1c: {  	s12 =	smov.u32 s9;
	[sflag:s15] =	ssyncset.done @!p1 $0x0;
	s9 =	smov.u32 s14  }
0x1d: {  	s11 =	sadd.s32 $0x1, s11;
	[sflag:s15] =	ssyncadd.s32 @!p1 $0xFFFFE000;
	s10 =	smov.u32 s16  }
.LBB1_1:
0x1e: {  	p1 =	sge.u32 s11, s5  }
0x1f: {  	s14 =	sand.u32 @!p1 $0x1FFFFFF, s9  }
0x20: {  	s15 =	smulhi.u32 @!p1 $0x147AE15, s14;
	_ =	sdelay $0x1  }
0x21: {  	s15 =	smul.u32 @!p1 $0xC8, s15  }
0x22: {  	s16 =	sxor.u32 @!p1 $0xFFFFFFFF, s11;
	s17 =	smul.u32 @!p1 $0xC80, s10  }
0x23: {  	s31 =	sadd.s32 $0xFFFFFFFF, s11;
	s16 =	sshll.u32 @!p1 s16, $0xD;
	s14 =	ssub.s32 @!p1 s14, s15  }
0x24: {  	s15 =	sand.u32 @!p1 $0x2000, s16;
	s16 =	sadd.s32 @!p1 s6, s17;
	s14 =	sshll.u32 @!p1 s14, $0x4  }
0x25: {  	s17 =	simm.s32 @!p1 $0x6400;
	s14 =	sadd.s32 @!p1 s14, s16;
	s16 =	simm.s32 @!p1 $0x40  }
0x26: {  	[tilespmem:s15], [sflag:$0x1] =	stream.strided.gather @!p1 [hbm4b:s14+s16], $0x2000, s17, s16, $0x38;
	[tilespmem:$0x8080] =	vst v63  }
0x27: {  	p1 =	sge.u32 s31, s5  }
.Ltmp2:
0x28: {  	_ = 	snop;
	(pc) =	sbr.rel @p1 .LBB1_5-.Ltmp2, $1  }
0x29: {  	_ =	sdelay $0x3  }
0x2a: {  	s14 =	simm.s32 $0x1  }
0x2b: {  	_ =	swait.ge [sflag:s4], $0x2000;
	s14 =	simm.s32 @!p0 $0x0  }
0x2c: {  	[sflag:s4] =	ssyncset.done $0x0;
	s15 =	sshll.u32 s14, $0xD  }
0x2d: {  	[sflag:s4] =	ssyncadd.s32 $0xFFFFE000;
	s18 =	sor.u32 $0x20, s15  }
0x2e: {  	s14 =	smul.u32 $0x8100, s14;
	v3 =	vld [tilespmem:s18+$0x10]  }
0x2f: {  	s30 =	sand.u32 $0x1, s11;
	v2 =	vld [tilespmem:s18+$0xFFFFFFF0]  }
0x30: {  	s15 =	smul.u32 $0x8100, s30;
	s14 =	sshrl.u32 s14, $0x2;
	v0 =	vld [tilespmem:s18+$0x0]  }
0x31: {  	v1 =	vld [tilespmem:s18+$0xFFFFFFE0];
	s16 =	sor.u32 $0x4000, s14  }
0x32: {  	s31 =	sshrl.u32 s15, $0x2;
	s15 =	sadd.s32 $0x0, s16  }
0x33: {  	s17 =	simm.s32 $0x4;
	s18 =	sadd.s32 $0x40, s18;
	s14 =	sor.u32 $0x4000, s31;
	[tilespmem:s15+$0x1830 ss:$0x81] =	vst.msk $0xffff, v3  }
.LBB1_3:
0x34: {  	v3 =	vld [tilespmem:s18+$0x10];
	p1 =	sne.s32 s17, $0x1FC;
	[tilespmem:s15+$0x810 ss:$0x81] =	vst.msk $0xffff, v2;
	s19 =	smov.u32 s17;
	s17 =	sadd.s32 $0x4, s17  }
.Ltmp3:
0x35: {  	v2 =	vld [tilespmem:s18+$0xFFFFFFF0];
	[tilespmem:s15+$0x1020 ss:$0x81] =	vst.msk $0xffff, v0;
	(pc) =	sbr.rel @p1 .LBB1_3-.Ltmp3, $4  }
0x36: {  	v0 =	vld [tilespmem:s18+$0x0];
	[tilespmem:s15+$0x0 ss:$0x81] =	vst.msk $0xffff, v1  }
0x37: {  	s15 =	sshra.s32 s19, $0x2;
	v1 =	vld [tilespmem:s18+$0xFFFFFFE0]  }
0x38: {  	s15 =	sadd.s32 s15, s16  }
0x39: {  	s18 =	sadd.s32 $0x40, s18;
	[tilespmem:s15+$0x1830 ss:$0x81] =	vst.msk $0xffff, v3  }
.Ltmp4:
0x3a: {  	_ = 	snop;
	(pc) =	sbr.rel .LBB1_4-.Ltmp4, $1  }
0x3b: {  	_ =	sdelay $0x3  }
.LBB1_6:
0x3c: {  	_ =	sfence.sel $0x180000  }
0x3d: {  	s2 =	simm.s32 $0x1;
	[bflag:$0x0] =	sbarrier.arrive $0xFFFF  }
0x3e: {  	s31 =	simm.s32 $0x2;
	[sflag:s2] =	ssyncpa.u1 $0x1  }
0x3f: {  	[sflag:s31] =	ssyncpa.u1 $0x1  }
0x40: {  	p0 =	sne.s32 s0, $0x0;
	_ =	strace $0x9000004A  }
0x41: {  	s0 =	sadd.s32 @!p0 $0x100000, s1;
	[bflag:$0x2] =	sbarrier.arrive $0xFFFF  }
0x42: {  	[sflag:s0] =	ssyncadd.tile.s32 @!p0 $0x1;
	_ =	shalt  }
.Lfunc_end1:
_tile_overlayer_lowered:
.L_overlay_start_2:
0x43: {  	(tag) =	ssettag $0x2  }
0x44: {  	s0 =	rddreg [dreg:$0x0];
	s2 =	stileid.u32  }
0x45: {  	s1 =	rddreg [dreg:$0x1];
	p0 =	sne.s32 s2, $0x0  }
0x46: {  	s3 =	rddreg [dreg:$0x2];
	[bflag:$0x3] =	sbarrier.arrive $0xFFFF;
	s2 =	simm.s32 @!p0 $0x1C01  }
0x47: {  	[timem:s3], [sflag:s2] =	dma.local @!p0 [hbm:s0], s1  }
0x48: {  	s0 =	simm.s32 @!p0 $0x1  }
0x49: {  	_ =	swait.ge @!p0 [sflag:s0], s1  }
0x4a: {  	s1 =	ssub.s32 @!p0 $0x0, s1;
	[sflag:s0] =	ssyncset.done @!p0 $0x0  }
0x4b: {  	[sflag:s0] =	ssyncadd.s32 @!p0 s1  }
0x4c: {  	[bflag:$0x3] =	sbarrier.arrive $0xFFFF  }
0x4d: {  	_ =	shalt  }

</sc_bundles>
